<compile_context>
chip_gen: v7x
topology: tpu7x:2x2x1
jax: 0.10.2.dev20260603
libtpu: 0.0.44.dev20260713+nightly
codegen_flags: <defaults>
</compile_context>

<pallas_src>
import functools

import jax
import jax.numpy as jnp
from jax import lax
from jax.experimental import pallas as pl
from jax.experimental.pallas import tpu as pltpu
from jax.experimental.pallas import tpu_sc as plsc

D = 128
NA = 1000
TRASH = NA
AGG_ROWS = 1024
ROWS_PER_TILE = AGG_ROWS // 16
CHK = 128

NC, NS = 2, 16
NW = NC * NS


def _sc_agg_call(nodes, edge_flat, E, zeros_init):
    epw = E // NW
    assert epw * NW == E and epw % 16 == 0
    filt_iters = epw // 16
    sel_cap = ((epw + CHK - 1) // CHK) * CHK
    sel_size = sel_cap + 16

    mesh = plsc.VectorSubcoreMesh(core_axis_name="c", subcore_axis_name="s")

    @functools.partial(
        pl.kernel,
        out_type=jax.ShapeDtypeStruct((NC, AGG_ROWS, D), jnp.float32),
        mesh=mesh,
        scratch_types=[
            pltpu.VMEM((epw,), jnp.int32),
            pltpu.VMEM((epw,), jnp.int32),
            pltpu.VMEM((sel_size,), jnp.int32),
            pltpu.VMEM((sel_size,), jnp.int32),
            pltpu.VMEM((CHK,), jnp.int32),
            pltpu.VMEM((CHK,), jnp.int32),
            pltpu.VMEM((CHK,), jnp.int32),
            pltpu.VMEM((CHK,), jnp.int32),
            pltpu.VMEM((CHK, D), jnp.float32),
            pltpu.VMEM((CHK, D), jnp.float32),
            pltpu.VMEM_SHARED((AGG_ROWS, D), jnp.float32),
            pltpu.SemaphoreType.DMA,
            pltpu.SemaphoreType.DMA,
        ],
        compiler_params=pltpu.CompilerParams(needs_layout_passes=False),
    )
    def sc_agg(nodes_hbm, edge_hbm, zero_hbm, out_hbm,
               src_v, dst_v, ssrc_v, sdst_v,
               gi0_v, gi1_v, si0_v, si1_v, rows0_v, rows1_v,
               agg_sh, sem0, sem1):
        cid = lax.axis_index("c")
        sid = lax.axis_index("s")
        wid = sid * NC + cid
        base = wid * epw
        gi = (gi0_v, gi1_v)
        si = (si0_v, si1_v)
        rows = (rows0_v, rows1_v)
        sems = (sem0, sem1)

        row0 = sid * ROWS_PER_TILE
        pltpu.sync_copy(zero_hbm.at[pl.ds(row0, ROWS_PER_TILE)],
                        agg_sh.at[pl.ds(row0, ROWS_PER_TILE)])

        pltpu.sync_copy(edge_hbm.at[pl.ds(base, epw)], src_v)
        pltpu.sync_copy(edge_hbm.at[pl.ds(E + base, epw)], dst_v)

        plsc.subcore_barrier()

        lane = lax.iota(jnp.int32, 16)

        @plsc.parallel_loop(0, filt_iters, 1, unroll=8,
                            carry=jnp.zeros((16,), jnp.int32))
        def filt_loop(i, cnt_vec):
            s16 = src_v[pl.ds(i * 16, 16)]
            d16 = dst_v[pl.ds(i * 16, 16)]
            m = d16 < NA
            mi = m.astype(jnp.int32)
            pos = plsc.cumsum(mi)
            tgt = jnp.where(m, cnt_vec + pos - 1, sel_cap + lane)
            plsc.store_scatter(ssrc_v, [tgt], s16)
            plsc.store_scatter(sdst_v, [tgt], d16)
            return cnt_vec + plsc.all_reduce_population_count(m)

        cnt = jnp.max(filt_loop)

        nchunks = (cnt + CHK - 1) // CHK

        def stage_and_fire(j, b):
            cbase = j * CHK
            for k in range(CHK // 16):
                off = cbase + k * 16
                sv = ssrc_v[pl.ds(off, 16)]
                dv = sdst_v[pl.ds(off, 16)]
                valid = (off + lane) < cnt
                gi[b][pl.ds(k * 16, 16)] = jnp.where(valid, sv, 0)
                si[b][pl.ds(k * 16, 16)] = jnp.where(valid, dv, TRASH)
            pltpu.make_async_copy(nodes_hbm.at[gi[b]], rows[b], sems[b]).start()

        def drain_and_scatter(j, b):
            pltpu.make_async_copy(nodes_hbm.at[gi[b]], rows[b], sems[b]).wait()
            pltpu.sync_copy(rows[b], agg_sh.at[si[b]], add=True)

        @pl.when(nchunks > 0)
        def _prime():
            stage_and_fire(0, 0)

        def pair_body(p, _):
            j0 = p * 2

            @pl.when(j0 + 1 < nchunks)
            def _f1():
                stage_and_fire(j0 + 1, 1)

            drain_and_scatter(j0, 0)

            @pl.when(j0 + 2 < nchunks)
            def _f0():
                stage_and_fire(j0 + 2, 0)

            @pl.when(j0 + 1 < nchunks)
            def _d1():
                drain_and_scatter(j0 + 1, 1)

            return 0

        lax.fori_loop(0, (nchunks + 1) // 2, pair_body, 0)

        plsc.subcore_barrier()
        pltpu.sync_copy(agg_sh.at[pl.ds(row0, ROWS_PER_TILE)],
                        out_hbm.at[cid, pl.ds(row0, ROWS_PER_TILE)])

    return sc_agg(nodes, edge_flat, zeros_init)


def _tc_head(nodes_ref, agg2_ref, rnn_ref, wu_ref, bu_ref, wh_ref, bh_ref,
             wo_ref, bo_ref, out_ref):
    na = out_ref.shape[0]
    d = nodes_ref.shape[1]
    agg = agg2_ref[0, :na, :] + agg2_ref[1, :na, :]
    h = (jnp.dot(nodes_ref[...], wu_ref[:d], preferred_element_type=jnp.float32)
         + jnp.dot(agg, wu_ref[d:], preferred_element_type=jnp.float32)
         + bu_ref[...])
    h = jnp.maximum(h, 0.0)
    x = (jnp.dot(h, wh_ref[:d], preferred_element_type=jnp.float32)
         + jnp.dot(rnn_ref[...], wh_ref[d:], preferred_element_type=jnp.float32)
         + bh_ref[...])
    x = jnp.maximum(x, 0.0)
    out_ref[...] = jnp.sum(x * wo_ref[...], axis=1, keepdims=True) + bo_ref[...]


def kernel(nodes, edge_index, rnn_state, n_agents, W_upd, b_upd,
           W_head, b_head, W_out, b_out):
    del n_agents
    na = rnn_state.shape[0]
    n, d = nodes.shape

    zeros_init = jnp.zeros((AGG_ROWS, d), jnp.float32)
    agg2 = _sc_agg_call(nodes, edge_index.reshape(-1), edge_index.shape[1],
                        zeros_init)

    out = pl.pallas_call(
        _tc_head,
        out_shape=jax.ShapeDtypeStruct((na, 1), jnp.float32),
        grid=(1,),
        in_specs=[
            pl.BlockSpec((na, d), lambda i: (0, 0)),
            pl.BlockSpec(agg2.shape, lambda i: (0, 0, 0)),
            pl.BlockSpec(rnn_state.shape, lambda i: (0, 0)),
            pl.BlockSpec(W_upd.shape, lambda i: (0, 0)),
            pl.BlockSpec((1, d), lambda i: (0, 0)),
            pl.BlockSpec(W_head.shape, lambda i: (0, 0)),
            pl.BlockSpec((1, W_head.shape[1]), lambda i: (0, 0)),
            pl.BlockSpec((1, W_out.shape[0]), lambda i: (0, 0)),
            pl.BlockSpec((1, 1), lambda i: (0, 0)),
        ],
        out_specs=pl.BlockSpec((na, 1), lambda i: (0, 0)),
    )(
        nodes, agg2, rnn_state,
        W_upd, b_upd.reshape(1, -1),
        W_head, b_head.reshape(1, -1),
        W_out.reshape(1, -1), b_out.reshape(1, 1),
    )
    return out

# --- scband reference (transcript-rebuilt; emitter-appended) ---
"""Pipeline reference for scband-dec-state-fn-40243843564102 (READ-ONLY COPY).

The authoritative reference and input builder live on the scoring server;
editing this copy changes nothing except your own understanding.
"""

import jax, jax.numpy as jnp
import numpy as np

N = 10000
E = 320000
D = 128
D_RNN = 64
N_AGENTS = 1000
D_HID = 256
N_OUT = 1


def setup_inputs(seed: int = 0) -> dict:
    key = jax.random.key(seed)
    ks = jax.random.split(key, 8)
    nodes = jax.random.normal(ks[0], (N, D), dtype=jnp.float32)
    edge_index = jax.random.randint(ks[1], (2, E), 0, N, dtype=jnp.int32)
    rnn_state = jax.random.normal(ks[2], (N_AGENTS, D_RNN), dtype=jnp.float32)
    s1 = 1.0 / np.sqrt(2 * D)
    W_upd = jax.random.uniform(ks[3], (2 * D, D), jnp.float32, -s1, s1)
    b_upd = jnp.zeros((D,), jnp.float32)
    s2 = 1.0 / np.sqrt(D + D_RNN)
    W_head = jax.random.uniform(ks[4], (D + D_RNN, D_HID), jnp.float32, -s2, s2)
    b_head = jnp.zeros((D_HID,), jnp.float32)
    s3 = 1.0 / np.sqrt(D_HID)
    W_out = jax.random.uniform(ks[5], (D_HID, N_OUT), jnp.float32, -s3, s3)
    b_out = jnp.zeros((N_OUT,), jnp.float32)
    return {"nodes": nodes, "edge_index": edge_index, "rnn_state": rnn_state, "n_agents": N_AGENTS,
            "W_upd": W_upd, "b_upd": b_upd, "W_head": W_head, "b_head": b_head,
            "W_out": W_out, "b_out": b_out}


def reference(nodes, edge_index, rnn_state, n_agents, W_upd, b_upd, W_head, b_head, W_out, b_out):
    # GNN message passing (gnn_cls): gather src features, scatter-add to dst, node update MLP
    src = edge_index[0]
    dst = edge_index[1]
    msg = jnp.take(nodes, src, axis=0)
    agg = jax.ops.segment_sum(msg, dst, num_segments=nodes.shape[0])
    h = jax.nn.relu(jnp.concatenate([nodes, agg], axis=-1) @ W_upd + b_upd)
    # select agent-type nodes (node_type=0, n_type=n_agents): first n_agents rows
    n_agents_static = rnn_state.shape[0]
    start = n_agents - n_agents_static
    x = jax.lax.dynamic_slice_in_dim(h, start, n_agents_static, axis=0)
    # rnn_input=True: concatenate rnn state
    x = jnp.concatenate([x, rnn_state], axis=-1)
    # head_cls: MLP
    x = jax.nn.relu(x @ W_head + b_head)
    # final Dense to n_out (hl_gauss_bins is None)
    out = x @ W_out + b_out
    assert out.shape == (n_agents_static, N_OUT)
    return out

if __name__ == "__main__":
    import jax
    _d = setup_inputs()
    print(jax.jit(kernel)(*tuple(_d.values())))

</pallas_src>

<mosaic_0001>
#map = affine_map<(d0, d1) -> (0, 0)>
#map1 = affine_map<(d0, d1) -> (0)>
#map2 = affine_map<(d0, d1) -> (0, 0, 0)>
module attributes {stable_mosaic.version = 14 : i64} {
  func.func @sc_agg(%arg0: i32, %arg1: i32, %arg2: memref<10000x128xf32, #tpu.memory_space<hbm>>, %arg3: memref<640000xi32, #tpu.memory_space<hbm>>, %arg4: memref<1024x128xf32, #tpu.memory_space<hbm>>, %arg5: memref<2x1024x128xf32, #tpu.memory_space<hbm>>, %arg6: memref<10000xi32, #tpu.memory_space<vmem>>, %arg7: memref<10000xi32, #tpu.memory_space<vmem>>, %arg8: memref<10128xi32, #tpu.memory_space<vmem>>, %arg9: memref<10128xi32, #tpu.memory_space<vmem>>, %arg10: memref<128xi32, #tpu.memory_space<vmem>>, %arg11: memref<128xi32, #tpu.memory_space<vmem>>, %arg12: memref<128xi32, #tpu.memory_space<vmem>>, %arg13: memref<128xi32, #tpu.memory_space<vmem>>, %arg14: memref<128x128xf32, #tpu.memory_space<vmem>>, %arg15: memref<128x128xf32, #tpu.memory_space<vmem>>, %arg16: memref<1024x128xf32, #tpu.memory_space<vmem_shared>>, %arg17: memref<!tpu.dma_semaphore, #tpu.memory_space<semaphore_mem>>, %arg18: memref<!tpu.dma_semaphore, #tpu.memory_space<semaphore_mem>>) attributes {dimension_semantics = [#tpu.dimension_semantics<core_parallel>, #tpu.dimension_semantics<subcore_parallel>], iteration_bounds = array<i64: 2, 16>, scalar_prefetch = 0 : i64, scratch_operands = 13 : i64, tpu.core_type = #tpu.core_type<sc_vector_subcore>, window_params = [{transform_indices = #map}, {transform_indices = #map1}, {transform_indices = #map}, {transform_indices = #map2}]} {
    %mul3A = arith.constant 2 : i32
    %mul3A_0 = arith.muli %arg1, %mul3A : i32
    %add3A = arith.addi %mul3A_0, %arg0 : i32
    %mul3A_1 = arith.constant 10000 : i32
    %mul3A_2 = arith.muli %add3A, %mul3A_1 : i32
    %mul3A_3 = arith.constant 64 : i32
    %mul3A_4 = arith.muli %arg1, %mul3A_3 : i32
    "tpu.region"() ({
      %run_scoped3A = tpu.sem_alloc : memref<!tpu.dma_semaphore, #tpu.memory_space<semaphore_mem>>
      %dma_start3A = arith.constant 0 : i32
      %dma_start3A_78 = tpu.memref_slice %arg16[%mul3A_4, %dma_start3A] : memref<1024x128xf32, #tpu.memory_space<vmem_shared>> -> memref<64x128xf32, #tpu.memory_space<vmem_shared>>
      %dma_start3A_79 = arith.constant 0 : i32
      %dma_start3A_80 = tpu.memref_slice %arg4[%mul3A_4, %dma_start3A_79] : memref<1024x128xf32, #tpu.memory_space<hbm>> -> memref<64x128xf32, #tpu.memory_space<hbm>>
      tpu.enqueue_dma source(%dma_start3A_80 : memref<64x128xf32, #tpu.memory_space<hbm>>) target(%dma_start3A_78 : memref<64x128xf32, #tpu.memory_space<vmem_shared>>) target_semaphore(%run_scoped3A : memref<!tpu.dma_semaphore, #tpu.memory_space<semaphore_mem>>)
      %dma_wait3A = arith.constant 0 : i32
      %dma_wait3A_81 = tpu.memref_slice %arg16[%mul3A_4, %dma_wait3A] : memref<1024x128xf32, #tpu.memory_space<vmem_shared>> -> memref<64x128xf32, #tpu.memory_space<vmem_shared>>
      %dma_wait3A_82 = arith.constant 0 : i32
      %dma_wait3A_83 = tpu.memref_slice %arg4[%mul3A_4, %dma_wait3A_82] : memref<1024x128xf32, #tpu.memory_space<hbm>> -> memref<64x128xf32, #tpu.memory_space<hbm>>
      tpu.wait_dma2 semaphore(%run_scoped3A : memref<!tpu.dma_semaphore, #tpu.memory_space<semaphore_mem>>) src(%dma_wait3A_83 : memref<64x128xf32, #tpu.memory_space<hbm>>) dst(%dma_wait3A_81 : memref<64x128xf32, #tpu.memory_space<vmem_shared>>)
      tpu.yield
    }) : () -> ()
    "tpu.region"() ({
      %run_scoped3A = tpu.sem_alloc : memref<!tpu.dma_semaphore, #tpu.memory_space<semaphore_mem>>
      %dma_start3A = tpu.memref_slice %arg3[%mul3A_2] : memref<640000xi32, #tpu.memory_space<hbm>> -> memref<10000xi32, #tpu.memory_space<hbm>>
      %dma_start3A_78 = tpu.memref_slice %arg3[%mul3A_2] : memref<640000xi32, #tpu.memory_space<hbm>> -> memref<10000xi32, #tpu.memory_space<hbm>>
      tpu.enqueue_dma source(%dma_start3A_78 : memref<10000xi32, #tpu.memory_space<hbm>>) target(%arg6 : memref<10000xi32, #tpu.memory_space<vmem>>) target_semaphore(%run_scoped3A : memref<!tpu.dma_semaphore, #tpu.memory_space<semaphore_mem>>)
      %dma_wait3A = tpu.memref_slice %arg3[%mul3A_2] : memref<640000xi32, #tpu.memory_space<hbm>> -> memref<10000xi32, #tpu.memory_space<hbm>>
      %dma_wait3A_79 = tpu.memref_slice %arg3[%mul3A_2] : memref<640000xi32, #tpu.memory_space<hbm>> -> memref<10000xi32, #tpu.memory_space<hbm>>
      tpu.wait_dma2 semaphore(%run_scoped3A : memref<!tpu.dma_semaphore, #tpu.memory_space<semaphore_mem>>) src(%dma_wait3A_79 : memref<10000xi32, #tpu.memory_space<hbm>>) dst(%arg6 : memref<10000xi32, #tpu.memory_space<vmem>>)
      tpu.yield
    }) : () -> ()
    %add3A_5 = arith.constant 320000 : i32
    %add3A_6 = arith.addi %add3A_5, %mul3A_2 : i32
    "tpu.region"() ({
      %run_scoped3A = tpu.sem_alloc : memref<!tpu.dma_semaphore, #tpu.memory_space<semaphore_mem>>
      %dma_start3A = tpu.memref_slice %arg3[%add3A_6] : memref<640000xi32, #tpu.memory_space<hbm>> -> memref<10000xi32, #tpu.memory_space<hbm>>
      %dma_start3A_78 = tpu.memref_slice %arg3[%add3A_6] : memref<640000xi32, #tpu.memory_space<hbm>> -> memref<10000xi32, #tpu.memory_space<hbm>>
      tpu.enqueue_dma source(%dma_start3A_78 : memref<10000xi32, #tpu.memory_space<hbm>>) target(%arg7 : memref<10000xi32, #tpu.memory_space<vmem>>) target_semaphore(%run_scoped3A : memref<!tpu.dma_semaphore, #tpu.memory_space<semaphore_mem>>)
      %dma_wait3A = tpu.memref_slice %arg3[%add3A_6] : memref<640000xi32, #tpu.memory_space<hbm>> -> memref<10000xi32, #tpu.memory_space<hbm>>
      %dma_wait3A_79 = tpu.memref_slice %arg3[%add3A_6] : memref<640000xi32, #tpu.memory_space<hbm>> -> memref<10000xi32, #tpu.memory_space<hbm>>
      tpu.wait_dma2 semaphore(%run_scoped3A : memref<!tpu.dma_semaphore, #tpu.memory_space<semaphore_mem>>) src(%dma_wait3A_79 : memref<10000xi32, #tpu.memory_space<hbm>>) dst(%arg7 : memref<10000xi32, #tpu.memory_space<vmem>>)
      tpu.yield
    }) : () -> ()
    %barrier3A = arith.constant 0 : index
    tpu.barrier barrier_id(%barrier3A)
    %iota3A = tpu.iota {dimensions = array<i32: 0>} : vector<16xi32>
    %broadcast_in_dim3A = arith.constant 0 : i32
    %broadcast_in_dim3A_7 = vector.broadcast %broadcast_in_dim3A : i32 to vector<16xi32>
    %parallel_loop3A = arith.constant 0 : i32
    %parallel_loop3A_8 = arith.constant 625 : i32
    %parallel_loop3A_9 = arith.constant 1 : i32
    %parallel_loop3A_10 = scf.for %parallel_loop3A_78 = %parallel_loop3A to %parallel_loop3A_8 step %parallel_loop3A_9 iter_args(%parallel_loop3A_79 = %broadcast_in_dim3A_7) -> (vector<16xi32>)  : i32 {
      %parallel_loop3A_80 = arith.constant 16 : i32
      %parallel_loop3A_81 = arith.muli %parallel_loop3A_78, %parallel_loop3A_80 : i32
      %parallel_loop3A_82 = arith.index_cast %parallel_loop3A_81 : i32 to index
      %parallel_loop3A_83 = tpu.vector_load %arg6[%parallel_loop3A_82] {strides = array<i32>} : memref<10000xi32, #tpu.memory_space<vmem>>, vector<16xi32>,
      %parallel_loop3A_84 = arith.constant 16 : i32
      %parallel_loop3A_85 = arith.muli %parallel_loop3A_78, %parallel_loop3A_84 : i32
      %parallel_loop3A_86 = arith.index_cast %parallel_loop3A_85 : i32 to index
      %parallel_loop3A_87 = tpu.vector_load %arg7[%parallel_loop3A_86] {strides = array<i32>} : memref<10000xi32, #tpu.memory_space<vmem>>, vector<16xi32>,
      %parallel_loop3A_88 = arith.constant 1000 : i32
      %parallel_loop3A_89 = vector.broadcast %parallel_loop3A_88 : i32 to vector<16xi32>
      %parallel_loop3A_90 = arith.cmpi slt, %parallel_loop3A_87, %parallel_loop3A_89 : vector<16xi32>
      %parallel_loop3A_91 = arith.extui %parallel_loop3A_90 : vector<16xi1> to vector<16xi32>
      %parallel_loop3A_92 = arith.constant true
      %parallel_loop3A_93 = vector.broadcast %parallel_loop3A_92 : i1 to vector<16xi1>
      %parallel_loop3A_94 = tpu.scan <sum>, %parallel_loop3A_91 masked %parallel_loop3A_93 : vector<16xi32>, vector<16xi1> -> vector<16xi32>
      %parallel_loop3A_95 = arith.addi %parallel_loop3A_79, %parallel_loop3A_94 : vector<16xi32>
      %parallel_loop3A_96 = arith.constant 1 : i32
      %parallel_loop3A_97 = vector.broadcast %parallel_loop3A_96 : i32 to vector<16xi32>
      %parallel_loop3A_98 = arith.subi %parallel_loop3A_95, %parallel_loop3A_97 : vector<16xi32>
      %parallel_loop3A_99 = arith.constant 10112 : i32
      %parallel_loop3A_100 = vector.broadcast %parallel_loop3A_99 : i32 to vector<16xi32>
      %parallel_loop3A_101 = arith.addi %parallel_loop3A_100, %iota3A : vector<16xi32>
      %parallel_loop3A_102 = arith.select %parallel_loop3A_90, %parallel_loop3A_98, %parallel_loop3A_101 : vector<16xi1>, vector<16xi32>
      tpu.vector_store_idx %arg8[%parallel_loop3A_102], %parallel_loop3A_83 : memref<10128xi32, #tpu.memory_space<vmem>>[vector<16xi32>], vector<16xi32>,
      tpu.vector_store_idx %arg9[%parallel_loop3A_102], %parallel_loop3A_87 : memref<10128xi32, #tpu.memory_space<vmem>>[vector<16xi32>], vector<16xi32>,
      %parallel_loop3A_103 = tpu.all_reduce %parallel_loop3A_90 {dim = 0 : i64, kind = #tpu.reduction_kind<sum>} : vector<16xi1> -> vector<16xi32>
      %parallel_loop3A_104 = arith.addi %parallel_loop3A_79, %parallel_loop3A_103 : vector<16xi32>
      scf.yield %parallel_loop3A_104 : vector<16xi32>
    } {sc.loop_unroll_factor = 8 : i64, sc.parallel_access}
    %reduce_max3A = arith.constant true
    %reduce_max3A_11 = vector.broadcast %reduce_max3A : i1 to vector<16xi1>
    %reduce_max3A_12 = arith.constant -2147483648 : i32
    %reduce_max3A_13 = vector.broadcast %reduce_max3A_12 : i32 to vector<16xi32>
    %reduce_max3A_14 = arith.xori %parallel_loop3A_10, %reduce_max3A_13 : vector<16xi32>
    %reduce_max3A_15 = tpu.scan <max>, %reduce_max3A_14 masked %reduce_max3A_11 : vector<16xi32>, vector<16xi1> -> vector<16xi32>
    %reduce_max3A_16 = arith.xori %reduce_max3A_15, %reduce_max3A_13 : vector<16xi32>
    %reduce_max3A_17 = vector.extract %reduce_max3A_16[15] : i32 from vector<16xi32>
    %add3A_18 = arith.constant 128 : i32
    %add3A_19 = arith.addi %reduce_max3A_17, %add3A_18 : i32
    %sub3A = arith.constant 1 : i32
    %sub3A_20 = arith.subi %add3A_19, %sub3A : i32
    %jit3A = arith.constant 128 : i32
    %div3A = arith.divsi %sub3A_20, %jit3A : i32
    %sign3A = arith.constant 0 : i32
    %sign3A_21 = arith.cmpi sgt, %sub3A_20, %sign3A : i32
    %sign3A_22 = arith.extui %sign3A_21 : i1 to i32
    %sign3A_23 = arith.constant 0 : i32
    %sign3A_24 = arith.cmpi slt, %sub3A_20, %sign3A_23 : i32
    %sign3A_25 = arith.extui %sign3A_24 : i1 to i32
    %sign3A_26 = arith.subi %sign3A_22, %sign3A_25 : i32
    %sign3A_27 = arith.constant 0 : i32
    %sign3A_28 = arith.cmpi sgt, %jit3A, %sign3A_27 : i32
    %sign3A_29 = arith.extui %sign3A_28 : i1 to i32
    %sign3A_30 = arith.constant 0 : i32
    %sign3A_31 = arith.cmpi slt, %jit3A, %sign3A_30 : i32
    %sign3A_32 = arith.extui %sign3A_31 : i1 to i32
    %sign3A_33 = arith.subi %sign3A_29, %sign3A_32 : i32
    %ne3A = arith.cmpi ne, %sign3A_26, %sign3A_33 : i32
    %rem3A = arith.remsi %sub3A_20, %jit3A : i32
    %ne3A_34 = arith.constant 0 : i32
    %ne3A_35 = arith.cmpi ne, %rem3A, %ne3A_34 : i32
    %and3A = arith.andi %ne3A, %ne3A_35 : i1
    %sub3A_36 = arith.constant 1 : i32
    %sub3A_37 = arith.subi %div3A, %sub3A_36 : i32
    %select_n3A = arith.select %and3A, %sub3A_37, %div3A : i32
    %gt3A = arith.constant 0 : i32
    %gt3A_38 = arith.cmpi sgt, %select_n3A, %gt3A : i32
    %convert_element_type3A = arith.extui %gt3A_38 : i1 to i32
    %cond3A = arith.constant 0 : i32
    %cond3A_39 = arith.cmpi ne, %convert_element_type3A, %cond3A : i32
    scf.if %cond3A_39 {
      %get3A = arith.constant 0 : index
      %get3A_78 = tpu.vector_load %arg8[%get3A] {strides = array<i32>} : memref<10128xi32, #tpu.memory_space<vmem>>, vector<16xi32>,
      %get3A_79 = arith.constant 0 : index
      %get3A_80 = tpu.vector_load %arg9[%get3A_79] {strides = array<i32>} : memref<10128xi32, #tpu.memory_space<vmem>>, vector<16xi32>,
      %add3A_81 = arith.constant 0 : i32
      %add3A_82 = vector.broadcast %add3A_81 : i32 to vector<16xi32>
      %add3A_83 = arith.addi %add3A_82, %iota3A : vector<16xi32>
      %lt3A = vector.broadcast %reduce_max3A_17 : i32 to vector<16xi32>
      %lt3A_84 = arith.cmpi slt, %add3A_83, %lt3A : vector<16xi32>
      %jit3A_85 = arith.constant 0 : i32
      %broadcast_in_dim3A_86 = vector.broadcast %jit3A_85 : i32 to vector<16xi32>
      %select_n3A_87 = arith.select %lt3A_84, %get3A_78, %broadcast_in_dim3A_86 : vector<16xi1>, vector<16xi32>
      %swap3A = arith.constant 0 : index
      %swap3A_88 = tpu.vector_load %arg10[%swap3A] {strides = array<i32>} : memref<128xi32, #tpu.memory_space<vmem>>, vector<16xi32>,
      tpu.vector_store %arg10[%swap3A], %select_n3A_87 {strides = array<i32>} : memref<128xi32, #tpu.memory_space<vmem>>, vector<16xi32>,
      %jit3A_89 = arith.constant 1000 : i32
      %broadcast_in_dim3A_90 = vector.broadcast %jit3A_89 : i32 to vector<16xi32>
      %select_n3A_91 = arith.select %lt3A_84, %get3A_80, %broadcast_in_dim3A_90 : vector<16xi1>, vector<16xi32>
      %swap3A_92 = arith.constant 0 : index
      %swap3A_93 = tpu.vector_load %arg12[%swap3A_92] {strides = array<i32>} : memref<128xi32, #tpu.memory_space<vmem>>, vector<16xi32>,
      tpu.vector_store %arg12[%swap3A_92], %select_n3A_91 {strides = array<i32>} : memref<128xi32, #tpu.memory_space<vmem>>, vector<16xi32>,
      %get3A_94 = arith.constant 16 : index
      %get3A_95 = tpu.vector_load %arg8[%get3A_94] {strides = array<i32>} : memref<10128xi32, #tpu.memory_space<vmem>>, vector<16xi32>,
      %get3A_96 = arith.constant 16 : index
      %get3A_97 = tpu.vector_load %arg9[%get3A_96] {strides = array<i32>} : memref<10128xi32, #tpu.memory_space<vmem>>, vector<16xi32>,
      %add3A_98 = arith.constant 16 : i32
      %add3A_99 = vector.broadcast %add3A_98 : i32 to vector<16xi32>
      %add3A_100 = arith.addi %add3A_99, %iota3A : vector<16xi32>
      %lt3A_101 = vector.broadcast %reduce_max3A_17 : i32 to vector<16xi32>
      %lt3A_102 = arith.cmpi slt, %add3A_100, %lt3A_101 : vector<16xi32>
      %jit3A_103 = arith.constant 0 : i32
      %broadcast_in_dim3A_104 = vector.broadcast %jit3A_103 : i32 to vector<16xi32>
      %select_n3A_105 = arith.select %lt3A_102, %get3A_95, %broadcast_in_dim3A_104 : vector<16xi1>, vector<16xi32>
      %swap3A_106 = arith.constant 16 : index
      %swap3A_107 = tpu.vector_load %arg10[%swap3A_106] {strides = array<i32>} : memref<128xi32, #tpu.memory_space<vmem>>, vector<16xi32>,
      tpu.vector_store %arg10[%swap3A_106], %select_n3A_105 {strides = array<i32>} : memref<128xi32, #tpu.memory_space<vmem>>, vector<16xi32>,
      %jit3A_108 = arith.constant 1000 : i32
      %broadcast_in_dim3A_109 = vector.broadcast %jit3A_108 : i32 to vector<16xi32>
      %select_n3A_110 = arith.select %lt3A_102, %get3A_97, %broadcast_in_dim3A_109 : vector<16xi1>, vector<16xi32>
      %swap3A_111 = arith.constant 16 : index
      %swap3A_112 = tpu.vector_load %arg12[%swap3A_111] {strides = array<i32>} : memref<128xi32, #tpu.memory_space<vmem>>, vector<16xi32>,
      tpu.vector_store %arg12[%swap3A_111], %select_n3A_110 {strides = array<i32>} : memref<128xi32, #tpu.memory_space<vmem>>, vector<16xi32>,
      %get3A_113 = arith.constant 32 : index
      %get3A_114 = tpu.vector_load %arg8[%get3A_113] {strides = array<i32>} : memref<10128xi32, #tpu.memory_space<vmem>>, vector<16xi32>,
      %get3A_115 = arith.constant 32 : index
      %get3A_116 = tpu.vector_load %arg9[%get3A_115] {strides = array<i32>} : memref<10128xi32, #tpu.memory_space<vmem>>, vector<16xi32>,
      %add3A_117 = arith.constant 32 : i32
      %add3A_118 = vector.broadcast %add3A_117 : i32 to vector<16xi32>
      %add3A_119 = arith.addi %add3A_118, %iota3A : vector<16xi32>
      %lt3A_120 = vector.broadcast %reduce_max3A_17 : i32 to vector<16xi32>
      %lt3A_121 = arith.cmpi slt, %add3A_119, %lt3A_120 : vector<16xi32>
      %jit3A_122 = arith.constant 0 : i32
      %broadcast_in_dim3A_123 = vector.broadcast %jit3A_122 : i32 to vector<16xi32>
      %select_n3A_124 = arith.select %lt3A_121, %get3A_114, %broadcast_in_dim3A_123 : vector<16xi1>, vector<16xi32>
      %swap3A_125 = arith.constant 32 : index
      %swap3A_126 = tpu.vector_load %arg10[%swap3A_125] {strides = array<i32>} : memref<128xi32, #tpu.memory_space<vmem>>, vector<16xi32>,
      tpu.vector_store %arg10[%swap3A_125], %select_n3A_124 {strides = array<i32>} : memref<128xi32, #tpu.memory_space<vmem>>, vector<16xi32>,
      %jit3A_127 = arith.constant 1000 : i32
      %broadcast_in_dim3A_128 = vector.broadcast %jit3A_127 : i32 to vector<16xi32>
      %select_n3A_129 = arith.select %lt3A_121, %get3A_116, %broadcast_in_dim3A_128 : vector<16xi1>, vector<16xi32>
      %swap3A_130 = arith.constant 32 : index
      %swap3A_131 = tpu.vector_load %arg12[%swap3A_130] {strides = array<i32>} : memref<128xi32, #tpu.memory_space<vmem>>, vector<16xi32>,
      tpu.vector_store %arg12[%swap3A_130], %select_n3A_129 {strides = array<i32>} : memref<128xi32, #tpu.memory_space<vmem>>, vector<16xi32>,
      %get3A_132 = arith.constant 48 : index
      %get3A_133 = tpu.vector_load %arg8[%get3A_132] {strides = array<i32>} : memref<10128xi32, #tpu.memory_space<vmem>>, vector<16xi32>,
      %get3A_134 = arith.constant 48 : index
      %get3A_135 = tpu.vector_load %arg9[%get3A_134] {strides = array<i32>} : memref<10128xi32, #tpu.memory_space<vmem>>, vector<16xi32>,
      %add3A_136 = arith.constant 48 : i32
      %add3A_137 = vector.broadcast %add3A_136 : i32 to vector<16xi32>
      %add3A_138 = arith.addi %add3A_137, %iota3A : vector<16xi32>
      %lt3A_139 = vector.broadcast %reduce_max3A_17 : i32 to vector<16xi32>
      %lt3A_140 = arith.cmpi slt, %add3A_138, %lt3A_139 : vector<16xi32>
      %jit3A_141 = arith.constant 0 : i32
      %broadcast_in_dim3A_142 = vector.broadcast %jit3A_141 : i32 to vector<16xi32>
      %select_n3A_143 = arith.select %lt3A_140, %get3A_133, %broadcast_in_dim3A_142 : vector<16xi1>, vector<16xi32>
      %swap3A_144 = arith.constant 48 : index
      %swap3A_145 = tpu.vector_load %arg10[%swap3A_144] {strides = array<i32>} : memref<128xi32, #tpu.memory_space<vmem>>, vector<16xi32>,
      tpu.vector_store %arg10[%swap3A_144], %select_n3A_143 {strides = array<i32>} : memref<128xi32, #tpu.memory_space<vmem>>, vector<16xi32>,
      %jit3A_146 = arith.constant 1000 : i32
      %broadcast_in_dim3A_147 = vector.broadcast %jit3A_146 : i32 to vector<16xi32>
      %select_n3A_148 = arith.select %lt3A_140, %get3A_135, %broadcast_in_dim3A_147 : vector<16xi1>, vector<16xi32>
      %swap3A_149 = arith.constant 48 : index
      %swap3A_150 = tpu.vector_load %arg12[%swap3A_149] {strides = array<i32>} : memref<128xi32, #tpu.memory_space<vmem>>, vector<16xi32>,
      tpu.vector_store %arg12[%swap3A_149], %select_n3A_148 {strides = array<i32>} : memref<128xi32, #tpu.memory_space<vmem>>, vector<16xi32>,
      %get3A_151 = arith.constant 64 : index
      %get3A_152 = tpu.vector_load %arg8[%get3A_151] {strides = array<i32>} : memref<10128xi32, #tpu.memory_space<vmem>>, vector<16xi32>,
      %get3A_153 = arith.constant 64 : index
      %get3A_154 = tpu.vector_load %arg9[%get3A_153] {strides = array<i32>} : memref<10128xi32, #tpu.memory_space<vmem>>, vector<16xi32>,
      %add3A_155 = arith.constant 64 : i32
      %add3A_156 = vector.broadcast %add3A_155 : i32 to vector<16xi32>
      %add3A_157 = arith.addi %add3A_156, %iota3A : vector<16xi32>
      %lt3A_158 = vector.broadcast %reduce_max3A_17 : i32 to vector<16xi32>
      %lt3A_159 = arith.cmpi slt, %add3A_157, %lt3A_158 : vector<16xi32>
      %jit3A_160 = arith.constant 0 : i32
      %broadcast_in_dim3A_161 = vector.broadcast %jit3A_160 : i32 to vector<16xi32>
      %select_n3A_162 = arith.select %lt3A_159, %get3A_152, %broadcast_in_dim3A_161 : vector<16xi1>, vector<16xi32>
      %swap3A_163 = arith.constant 64 : index
      %swap3A_164 = tpu.vector_load %arg10[%swap3A_163] {strides = array<i32>} : memref<128xi32, #tpu.memory_space<vmem>>, vector<16xi32>,
      tpu.vector_store %arg10[%swap3A_163], %select_n3A_162 {strides = array<i32>} : memref<128xi32, #tpu.memory_space<vmem>>, vector<16xi32>,
      %jit3A_165 = arith.constant 1000 : i32
      %broadcast_in_dim3A_166 = vector.broadcast %jit3A_165 : i32 to vector<16xi32>
      %select_n3A_167 = arith.select %lt3A_159, %get3A_154, %broadcast_in_dim3A_166 : vector<16xi1>, vector<16xi32>
      %swap3A_168 = arith.constant 64 : index
      %swap3A_169 = tpu.vector_load %arg12[%swap3A_168] {strides = array<i32>} : memref<128xi32, #tpu.memory_space<vmem>>, vector<16xi32>,
      tpu.vector_store %arg12[%swap3A_168], %select_n3A_167 {strides = array<i32>} : memref<128xi32, #tpu.memory_space<vmem>>, vector<16xi32>,
      %get3A_170 = arith.constant 80 : index
      %get3A_171 = tpu.vector_load %arg8[%get3A_170] {strides = array<i32>} : memref<10128xi32, #tpu.memory_space<vmem>>, vector<16xi32>,
      %get3A_172 = arith.constant 80 : index
      %get3A_173 = tpu.vector_load %arg9[%get3A_172] {strides = array<i32>} : memref<10128xi32, #tpu.memory_space<vmem>>, vector<16xi32>,
      %add3A_174 = arith.constant 80 : i32
      %add3A_175 = vector.broadcast %add3A_174 : i32 to vector<16xi32>
      %add3A_176 = arith.addi %add3A_175, %iota3A : vector<16xi32>
      %lt3A_177 = vector.broadcast %reduce_max3A_17 : i32 to vector<16xi32>
      %lt3A_178 = arith.cmpi slt, %add3A_176, %lt3A_177 : vector<16xi32>
      %jit3A_179 = arith.constant 0 : i32
      %broadcast_in_dim3A_180 = vector.broadcast %jit3A_179 : i32 to vector<16xi32>
      %select_n3A_181 = arith.select %lt3A_178, %get3A_171, %broadcast_in_dim3A_180 : vector<16xi1>, vector<16xi32>
      %swap3A_182 = arith.constant 80 : index
      %swap3A_183 = tpu.vector_load %arg10[%swap3A_182] {strides = array<i32>} : memref<128xi32, #tpu.memory_space<vmem>>, vector<16xi32>,
      tpu.vector_store %arg10[%swap3A_182], %select_n3A_181 {strides = array<i32>} : memref<128xi32, #tpu.memory_space<vmem>>, vector<16xi32>,
      %jit3A_184 = arith.constant 1000 : i32
      %broadcast_in_dim3A_185 = vector.broadcast %jit3A_184 : i32 to vector<16xi32>
      %select_n3A_186 = arith.select %lt3A_178, %get3A_173, %broadcast_in_dim3A_185 : vector<16xi1>, vector<16xi32>
      %swap3A_187 = arith.constant 80 : index
      %swap3A_188 = tpu.vector_load %arg12[%swap3A_187] {strides = array<i32>} : memref<128xi32, #tpu.memory_space<vmem>>, vector<16xi32>,
      tpu.vector_store %arg12[%swap3A_187], %select_n3A_186 {strides = array<i32>} : memref<128xi32, #tpu.memory_space<vmem>>, vector<16xi32>,
      %get3A_189 = arith.constant 96 : index
      %get3A_190 = tpu.vector_load %arg8[%get3A_189] {strides = array<i32>} : memref<10128xi32, #tpu.memory_space<vmem>>, vector<16xi32>,
      %get3A_191 = arith.constant 96 : index
      %get3A_192 = tpu.vector_load %arg9[%get3A_191] {strides = array<i32>} : memref<10128xi32, #tpu.memory_space<vmem>>, vector<16xi32>,
      %add3A_193 = arith.constant 96 : i32
      %add3A_194 = vector.broadcast %add3A_193 : i32 to vector<16xi32>
      %add3A_195 = arith.addi %add3A_194, %iota3A : vector<16xi32>
      %lt3A_196 = vector.broadcast %reduce_max3A_17 : i32 to vector<16xi32>
      %lt3A_197 = arith.cmpi slt, %add3A_195, %lt3A_196 : vector<16xi32>
      %jit3A_198 = arith.constant 0 : i32
      %broadcast_in_dim3A_199 = vector.broadcast %jit3A_198 : i32 to vector<16xi32>
      %select_n3A_200 = arith.select %lt3A_197, %get3A_190, %broadcast_in_dim3A_199 : vector<16xi1>, vector<16xi32>
      %swap3A_201 = arith.constant 96 : index
      %swap3A_202 = tpu.vector_load %arg10[%swap3A_201] {strides = array<i32>} : memref<128xi32, #tpu.memory_space<vmem>>, vector<16xi32>,
      tpu.vector_store %arg10[%swap3A_201], %select_n3A_200 {strides = array<i32>} : memref<128xi32, #tpu.memory_space<vmem>>, vector<16xi32>,
      %jit3A_203 = arith.constant 1000 : i32
      %broadcast_in_dim3A_204 = vector.broadcast %jit3A_203 : i32 to vector<16xi32>
      %select_n3A_205 = arith.select %lt3A_197, %get3A_192, %broadcast_in_dim3A_204 : vector<16xi1>, vector<16xi32>
      %swap3A_206 = arith.constant 96 : index
      %swap3A_207 = tpu.vector_load %arg12[%swap3A_206] {strides = array<i32>} : memref<128xi32, #tpu.memory_space<vmem>>, vector<16xi32>,
      tpu.vector_store %arg12[%swap3A_206], %select_n3A_205 {strides = array<i32>} : memref<128xi32, #tpu.memory_space<vmem>>, vector<16xi32>,
      %get3A_208 = arith.constant 112 : index
      %get3A_209 = tpu.vector_load %arg8[%get3A_208] {strides = array<i32>} : memref<10128xi32, #tpu.memory_space<vmem>>, vector<16xi32>,
      %get3A_210 = arith.constant 112 : index
      %get3A_211 = tpu.vector_load %arg9[%get3A_210] {strides = array<i32>} : memref<10128xi32, #tpu.memory_space<vmem>>, vector<16xi32>,
      %add3A_212 = arith.constant 112 : i32
      %add3A_213 = vector.broadcast %add3A_212 : i32 to vector<16xi32>
      %add3A_214 = arith.addi %add3A_213, %iota3A : vector<16xi32>
      %lt3A_215 = vector.broadcast %reduce_max3A_17 : i32 to vector<16xi32>
      %lt3A_216 = arith.cmpi slt, %add3A_214, %lt3A_215 : vector<16xi32>
      %jit3A_217 = arith.constant 0 : i32
      %broadcast_in_dim3A_218 = vector.broadcast %jit3A_217 : i32 to vector<16xi32>
      %select_n3A_219 = arith.select %lt3A_216, %get3A_209, %broadcast_in_dim3A_218 : vector<16xi1>, vector<16xi32>
      %swap3A_220 = arith.constant 112 : index
      %swap3A_221 = tpu.vector_load %arg10[%swap3A_220] {strides = array<i32>} : memref<128xi32, #tpu.memory_space<vmem>>, vector<16xi32>,
      tpu.vector_store %arg10[%swap3A_220], %select_n3A_219 {strides = array<i32>} : memref<128xi32, #tpu.memory_space<vmem>>, vector<16xi32>,
      %jit3A_222 = arith.constant 1000 : i32
      %broadcast_in_dim3A_223 = vector.broadcast %jit3A_222 : i32 to vector<16xi32>
      %select_n3A_224 = arith.select %lt3A_216, %get3A_211, %broadcast_in_dim3A_223 : vector<16xi1>, vector<16xi32>
      %swap3A_225 = arith.constant 112 : index
      %swap3A_226 = tpu.vector_load %arg12[%swap3A_225] {strides = array<i32>} : memref<128xi32, #tpu.memory_space<vmem>>, vector<16xi32>,
      tpu.vector_store %arg12[%swap3A_225], %select_n3A_224 {strides = array<i32>} : memref<128xi32, #tpu.memory_space<vmem>>, vector<16xi32>,
      %dma_start3A = arith.constant 0 : i32
      %dma_start3A_227 = arith.constant 0 : i32
      %dma_start3A_228 = tpu.memref_slice %arg2[%dma_start3A, %dma_start3A_227] : memref<10000x128xf32, #tpu.memory_space<hbm>> -> memref<10000x128xf32, #tpu.memory_space<hbm>>
      tpu.enqueue_indirect_dma source(%dma_start3A_228 : memref<10000x128xf32, #tpu.memory_space<hbm>>) target(%arg14 : memref<128x128xf32, #tpu.memory_space<vmem>>) offsets(%arg10 : memref<128xi32, #tpu.memory_space<vmem>>) semaphore(%arg17 : memref<!tpu.dma_semaphore, #tpu.memory_space<semaphore_mem>>)
    } else {
    }
    %add3A_40 = arith.constant 1 : i32
    %add3A_41 = arith.addi %select_n3A, %add3A_40 : i32
    %jit3A_42 = arith.constant 2 : i32
    %div3A_43 = arith.divsi %add3A_41, %jit3A_42 : i32
    %sign3A_44 = arith.constant 0 : i32
    %sign3A_45 = arith.cmpi sgt, %add3A_41, %sign3A_44 : i32
    %sign3A_46 = arith.extui %sign3A_45 : i1 to i32
    %sign3A_47 = arith.constant 0 : i32
    %sign3A_48 = arith.cmpi slt, %add3A_41, %sign3A_47 : i32
    %sign3A_49 = arith.extui %sign3A_48 : i1 to i32
    %sign3A_50 = arith.subi %sign3A_46, %sign3A_49 : i32
    %sign3A_51 = arith.constant 0 : i32
    %sign3A_52 = arith.cmpi sgt, %jit3A_42, %sign3A_51 : i32
    %sign3A_53 = arith.extui %sign3A_52 : i1 to i32
    %sign3A_54 = arith.constant 0 : i32
    %sign3A_55 = arith.cmpi slt, %jit3A_42, %sign3A_54 : i32
    %sign3A_56 = arith.extui %sign3A_55 : i1 to i32
    %sign3A_57 = arith.subi %sign3A_53, %sign3A_56 : i32
    %ne3A_58 = arith.cmpi ne, %sign3A_50, %sign3A_57 : i32
    %rem3A_59 = arith.remsi %add3A_41, %jit3A_42 : i32
    %ne3A_60 = arith.constant 0 : i32
    %ne3A_61 = arith.cmpi ne, %rem3A_59, %ne3A_60 : i32
    %and3A_62 = arith.andi %ne3A_58, %ne3A_61 : i1
    %sub3A_63 = arith.constant 1 : i32
    %sub3A_64 = arith.subi %div3A_43, %sub3A_63 : i32
    %select_n3A_65 = arith.select %and3A_62, %sub3A_64, %div3A_43 : i32
    %while3A = arith.constant 0 : i32
    %while3A_66 = arith.constant 0 : i32
    %while3A_67 = arith.subi %select_n3A_65, %while3A : i32
    %while3A_68 = arith.addi %while3A, %while3A_67 : i32
    %while3A_69 = arith.constant 1 : i32
    %while3A_70 = arith.divsi %while3A_67, %while3A_69 : i32
    %while3A_71 = arith.muli %while3A_70, %while3A_69 : i32
    %while3A_72 = arith.addi %while3A, %while3A_71 : i32
    %while3A_73 = arith.constant 1 : i32
    %while3A_74 = scf.for %while3A_78 = %while3A to %while3A_72 step %while3A_73 iter_args(%while3A_79 = %while3A_66) -> (i32)  : i32 {
      %mul3A_80 = arith.constant 2 : i32
      %mul3A_81 = arith.muli %while3A_78, %mul3A_80 : i32
      %add3A_82 = arith.constant 1 : i32
      %add3A_83 = arith.addi %mul3A_81, %add3A_82 : i32
      %lt3A = arith.cmpi slt, %add3A_83, %select_n3A : i32
      %convert_element_type3A_84 = arith.extui %lt3A : i1 to i32
      %cond3A_85 = arith.constant 0 : i32
      %cond3A_86 = arith.cmpi ne, %convert_element_type3A_84, %cond3A_85 : i32
      scf.if %cond3A_86 {
        %add3A_102 = arith.constant 1 : i32
        %add3A_103 = arith.addi %mul3A_81, %add3A_102 : i32
        %mul3A_104 = arith.constant 128 : i32
        %mul3A_105 = arith.muli %add3A_103, %mul3A_104 : i32
        %add3A_106 = arith.constant 0 : i32
        %add3A_107 = arith.addi %mul3A_105, %add3A_106 : i32
        %get3A = arith.index_cast %add3A_107 : i32 to index
        %get3A_108 = tpu.vector_load %arg8[%get3A] {strides = array<i32>} : memref<10128xi32, #tpu.memory_space<vmem>>, vector<16xi32>,
        %get3A_109 = arith.index_cast %add3A_107 : i32 to index
        %get3A_110 = tpu.vector_load %arg9[%get3A_109] {strides = array<i32>} : memref<10128xi32, #tpu.memory_space<vmem>>, vector<16xi32>,
        %add3A_111 = vector.broadcast %add3A_107 : i32 to vector<16xi32>
        %add3A_112 = arith.addi %add3A_111, %iota3A : vector<16xi32>
        %lt3A_113 = vector.broadcast %reduce_max3A_17 : i32 to vector<16xi32>
        %lt3A_114 = arith.cmpi slt, %add3A_112, %lt3A_113 : vector<16xi32>
        %jit3A_115 = arith.constant 0 : i32
        %broadcast_in_dim3A_116 = vector.broadcast %jit3A_115 : i32 to vector<16xi32>
        %select_n3A_117 = arith.select %lt3A_114, %get3A_108, %broadcast_in_dim3A_116 : vector<16xi1>, vector<16xi32>
        %swap3A = arith.constant 0 : index
        %swap3A_118 = tpu.vector_load %arg11[%swap3A] {strides = array<i32>} : memref<128xi32, #tpu.memory_space<vmem>>, vector<16xi32>,
        tpu.vector_store %arg11[%swap3A], %select_n3A_117 {strides = array<i32>} : memref<128xi32, #tpu.memory_space<vmem>>, vector<16xi32>,
        %jit3A_119 = arith.constant 1000 : i32
        %broadcast_in_dim3A_120 = vector.broadcast %jit3A_119 : i32 to vector<16xi32>
        %select_n3A_121 = arith.select %lt3A_114, %get3A_110, %broadcast_in_dim3A_120 : vector<16xi1>, vector<16xi32>
        %swap3A_122 = arith.constant 0 : index
        %swap3A_123 = tpu.vector_load %arg13[%swap3A_122] {strides = array<i32>} : memref<128xi32, #tpu.memory_space<vmem>>, vector<16xi32>,
        tpu.vector_store %arg13[%swap3A_122], %select_n3A_121 {strides = array<i32>} : memref<128xi32, #tpu.memory_space<vmem>>, vector<16xi32>,
        %add3A_124 = arith.constant 16 : i32
        %add3A_125 = arith.addi %mul3A_105, %add3A_124 : i32
        %get3A_126 = arith.index_cast %add3A_125 : i32 to index
        %get3A_127 = tpu.vector_load %arg8[%get3A_126] {strides = array<i32>} : memref<10128xi32, #tpu.memory_space<vmem>>, vector<16xi32>,
        %get3A_128 = arith.index_cast %add3A_125 : i32 to index
        %get3A_129 = tpu.vector_load %arg9[%get3A_128] {strides = array<i32>} : memref<10128xi32, #tpu.memory_space<vmem>>, vector<16xi32>,
        %add3A_130 = vector.broadcast %add3A_125 : i32 to vector<16xi32>
        %add3A_131 = arith.addi %add3A_130, %iota3A : vector<16xi32>
        %lt3A_132 = vector.broadcast %reduce_max3A_17 : i32 to vector<16xi32>
        %lt3A_133 = arith.cmpi slt, %add3A_131, %lt3A_132 : vector<16xi32>
        %jit3A_134 = arith.constant 0 : i32
        %broadcast_in_dim3A_135 = vector.broadcast %jit3A_134 : i32 to vector<16xi32>
        %select_n3A_136 = arith.select %lt3A_133, %get3A_127, %broadcast_in_dim3A_135 : vector<16xi1>, vector<16xi32>
        %swap3A_137 = arith.constant 16 : index
        %swap3A_138 = tpu.vector_load %arg11[%swap3A_137] {strides = array<i32>} : memref<128xi32, #tpu.memory_space<vmem>>, vector<16xi32>,
        tpu.vector_store %arg11[%swap3A_137], %select_n3A_136 {strides = array<i32>} : memref<128xi32, #tpu.memory_space<vmem>>, vector<16xi32>,
        %jit3A_139 = arith.constant 1000 : i32
        %broadcast_in_dim3A_140 = vector.broadcast %jit3A_139 : i32 to vector<16xi32>
        %select_n3A_141 = arith.select %lt3A_133, %get3A_129, %broadcast_in_dim3A_140 : vector<16xi1>, vector<16xi32>
        %swap3A_142 = arith.constant 16 : index
        %swap3A_143 = tpu.vector_load %arg13[%swap3A_142] {strides = array<i32>} : memref<128xi32, #tpu.memory_space<vmem>>, vector<16xi32>,
        tpu.vector_store %arg13[%swap3A_142], %select_n3A_141 {strides = array<i32>} : memref<128xi32, #tpu.memory_space<vmem>>, vector<16xi32>,
        %add3A_144 = arith.constant 32 : i32
        %add3A_145 = arith.addi %mul3A_105, %add3A_144 : i32
        %get3A_146 = arith.index_cast %add3A_145 : i32 to index
        %get3A_147 = tpu.vector_load %arg8[%get3A_146] {strides = array<i32>} : memref<10128xi32, #tpu.memory_space<vmem>>, vector<16xi32>,
        %get3A_148 = arith.index_cast %add3A_145 : i32 to index
        %get3A_149 = tpu.vector_load %arg9[%get3A_148] {strides = array<i32>} : memref<10128xi32, #tpu.memory_space<vmem>>, vector<16xi32>,
        %add3A_150 = vector.broadcast %add3A_145 : i32 to vector<16xi32>
        %add3A_151 = arith.addi %add3A_150, %iota3A : vector<16xi32>
        %lt3A_152 = vector.broadcast %reduce_max3A_17 : i32 to vector<16xi32>
        %lt3A_153 = arith.cmpi slt, %add3A_151, %lt3A_152 : vector<16xi32>
        %jit3A_154 = arith.constant 0 : i32
        %broadcast_in_dim3A_155 = vector.broadcast %jit3A_154 : i32 to vector<16xi32>
        %select_n3A_156 = arith.select %lt3A_153, %get3A_147, %broadcast_in_dim3A_155 : vector<16xi1>, vector<16xi32>
        %swap3A_157 = arith.constant 32 : index
        %swap3A_158 = tpu.vector_load %arg11[%swap3A_157] {strides = array<i32>} : memref<128xi32, #tpu.memory_space<vmem>>, vector<16xi32>,
        tpu.vector_store %arg11[%swap3A_157], %select_n3A_156 {strides = array<i32>} : memref<128xi32, #tpu.memory_space<vmem>>, vector<16xi32>,
        %jit3A_159 = arith.constant 1000 : i32
        %broadcast_in_dim3A_160 = vector.broadcast %jit3A_159 : i32 to vector<16xi32>
        %select_n3A_161 = arith.select %lt3A_153, %get3A_149, %broadcast_in_dim3A_160 : vector<16xi1>, vector<16xi32>
        %swap3A_162 = arith.constant 32 : index
        %swap3A_163 = tpu.vector_load %arg13[%swap3A_162] {strides = array<i32>} : memref<128xi32, #tpu.memory_space<vmem>>, vector<16xi32>,
        tpu.vector_store %arg13[%swap3A_162], %select_n3A_161 {strides = array<i32>} : memref<128xi32, #tpu.memory_space<vmem>>, vector<16xi32>,
        %add3A_164 = arith.constant 48 : i32
        %add3A_165 = arith.addi %mul3A_105, %add3A_164 : i32
        %get3A_166 = arith.index_cast %add3A_165 : i32 to index
        %get3A_167 = tpu.vector_load %arg8[%get3A_166] {strides = array<i32>} : memref<10128xi32, #tpu.memory_space<vmem>>, vector<16xi32>,
        %get3A_168 = arith.index_cast %add3A_165 : i32 to index
        %get3A_169 = tpu.vector_load %arg9[%get3A_168] {strides = array<i32>} : memref<10128xi32, #tpu.memory_space<vmem>>, vector<16xi32>,
        %add3A_170 = vector.broadcast %add3A_165 : i32 to vector<16xi32>
        %add3A_171 = arith.addi %add3A_170, %iota3A : vector<16xi32>
        %lt3A_172 = vector.broadcast %reduce_max3A_17 : i32 to vector<16xi32>
        %lt3A_173 = arith.cmpi slt, %add3A_171, %lt3A_172 : vector<16xi32>
        %jit3A_174 = arith.constant 0 : i32
        %broadcast_in_dim3A_175 = vector.broadcast %jit3A_174 : i32 to vector<16xi32>
        %select_n3A_176 = arith.select %lt3A_173, %get3A_167, %broadcast_in_dim3A_175 : vector<16xi1>, vector<16xi32>
        %swap3A_177 = arith.constant 48 : index
        %swap3A_178 = tpu.vector_load %arg11[%swap3A_177] {strides = array<i32>} : memref<128xi32, #tpu.memory_space<vmem>>, vector<16xi32>,
        tpu.vector_store %arg11[%swap3A_177], %select_n3A_176 {strides = array<i32>} : memref<128xi32, #tpu.memory_space<vmem>>, vector<16xi32>,
        %jit3A_179 = arith.constant 1000 : i32
        %broadcast_in_dim3A_180 = vector.broadcast %jit3A_179 : i32 to vector<16xi32>
        %select_n3A_181 = arith.select %lt3A_173, %get3A_169, %broadcast_in_dim3A_180 : vector<16xi1>, vector<16xi32>
        %swap3A_182 = arith.constant 48 : index
        %swap3A_183 = tpu.vector_load %arg13[%swap3A_182] {strides = array<i32>} : memref<128xi32, #tpu.memory_space<vmem>>, vector<16xi32>,
        tpu.vector_store %arg13[%swap3A_182], %select_n3A_181 {strides = array<i32>} : memref<128xi32, #tpu.memory_space<vmem>>, vector<16xi32>,
        %add3A_184 = arith.constant 64 : i32
        %add3A_185 = arith.addi %mul3A_105, %add3A_184 : i32
        %get3A_186 = arith.index_cast %add3A_185 : i32 to index
        %get3A_187 = tpu.vector_load %arg8[%get3A_186] {strides = array<i32>} : memref<10128xi32, #tpu.memory_space<vmem>>, vector<16xi32>,
        %get3A_188 = arith.index_cast %add3A_185 : i32 to index
        %get3A_189 = tpu.vector_load %arg9[%get3A_188] {strides = array<i32>} : memref<10128xi32, #tpu.memory_space<vmem>>, vector<16xi32>,
        %add3A_190 = vector.broadcast %add3A_185 : i32 to vector<16xi32>
        %add3A_191 = arith.addi %add3A_190, %iota3A : vector<16xi32>
        %lt3A_192 = vector.broadcast %reduce_max3A_17 : i32 to vector<16xi32>
        %lt3A_193 = arith.cmpi slt, %add3A_191, %lt3A_192 : vector<16xi32>
        %jit3A_194 = arith.constant 0 : i32
        %broadcast_in_dim3A_195 = vector.broadcast %jit3A_194 : i32 to vector<16xi32>
        %select_n3A_196 = arith.select %lt3A_193, %get3A_187, %broadcast_in_dim3A_195 : vector<16xi1>, vector<16xi32>
        %swap3A_197 = arith.constant 64 : index
        %swap3A_198 = tpu.vector_load %arg11[%swap3A_197] {strides = array<i32>} : memref<128xi32, #tpu.memory_space<vmem>>, vector<16xi32>,
        tpu.vector_store %arg11[%swap3A_197], %select_n3A_196 {strides = array<i32>} : memref<128xi32, #tpu.memory_space<vmem>>, vector<16xi32>,
        %jit3A_199 = arith.constant 1000 : i32
        %broadcast_in_dim3A_200 = vector.broadcast %jit3A_199 : i32 to vector<16xi32>
        %select_n3A_201 = arith.select %lt3A_193, %get3A_189, %broadcast_in_dim3A_200 : vector<16xi1>, vector<16xi32>
        %swap3A_202 = arith.constant 64 : index
        %swap3A_203 = tpu.vector_load %arg13[%swap3A_202] {strides = array<i32>} : memref<128xi32, #tpu.memory_space<vmem>>, vector<16xi32>,
        tpu.vector_store %arg13[%swap3A_202], %select_n3A_201 {strides = array<i32>} : memref<128xi32, #tpu.memory_space<vmem>>, vector<16xi32>,
        %add3A_204 = arith.constant 80 : i32
        %add3A_205 = arith.addi %mul3A_105, %add3A_204 : i32
        %get3A_206 = arith.index_cast %add3A_205 : i32 to index
        %get3A_207 = tpu.vector_load %arg8[%get3A_206] {strides = array<i32>} : memref<10128xi32, #tpu.memory_space<vmem>>, vector<16xi32>,
        %get3A_208 = arith.index_cast %add3A_205 : i32 to index
        %get3A_209 = tpu.vector_load %arg9[%get3A_208] {strides = array<i32>} : memref<10128xi32, #tpu.memory_space<vmem>>, vector<16xi32>,
        %add3A_210 = vector.broadcast %add3A_205 : i32 to vector<16xi32>
        %add3A_211 = arith.addi %add3A_210, %iota3A : vector<16xi32>
        %lt3A_212 = vector.broadcast %reduce_max3A_17 : i32 to vector<16xi32>
        %lt3A_213 = arith.cmpi slt, %add3A_211, %lt3A_212 : vector<16xi32>
        %jit3A_214 = arith.constant 0 : i32
        %broadcast_in_dim3A_215 = vector.broadcast %jit3A_214 : i32 to vector<16xi32>
        %select_n3A_216 = arith.select %lt3A_213, %get3A_207, %broadcast_in_dim3A_215 : vector<16xi1>, vector<16xi32>
        %swap3A_217 = arith.constant 80 : index
        %swap3A_218 = tpu.vector_load %arg11[%swap3A_217] {strides = array<i32>} : memref<128xi32, #tpu.memory_space<vmem>>, vector<16xi32>,
        tpu.vector_store %arg11[%swap3A_217], %select_n3A_216 {strides = array<i32>} : memref<128xi32, #tpu.memory_space<vmem>>, vector<16xi32>,
        %jit3A_219 = arith.constant 1000 : i32
        %broadcast_in_dim3A_220 = vector.broadcast %jit3A_219 : i32 to vector<16xi32>
        %select_n3A_221 = arith.select %lt3A_213, %get3A_209, %broadcast_in_dim3A_220 : vector<16xi1>, vector<16xi32>
        %swap3A_222 = arith.constant 80 : index
        %swap3A_223 = tpu.vector_load %arg13[%swap3A_222] {strides = array<i32>} : memref<128xi32, #tpu.memory_space<vmem>>, vector<16xi32>,
        tpu.vector_store %arg13[%swap3A_222], %select_n3A_221 {strides = array<i32>} : memref<128xi32, #tpu.memory_space<vmem>>, vector<16xi32>,
        %add3A_224 = arith.constant 96 : i32
        %add3A_225 = arith.addi %mul3A_105, %add3A_224 : i32
        %get3A_226 = arith.index_cast %add3A_225 : i32 to index
        %get3A_227 = tpu.vector_load %arg8[%get3A_226] {strides = array<i32>} : memref<10128xi32, #tpu.memory_space<vmem>>, vector<16xi32>,
        %get3A_228 = arith.index_cast %add3A_225 : i32 to index
        %get3A_229 = tpu.vector_load %arg9[%get3A_228] {strides = array<i32>} : memref<10128xi32, #tpu.memory_space<vmem>>, vector<16xi32>,
        %add3A_230 = vector.broadcast %add3A_225 : i32 to vector<16xi32>
        %add3A_231 = arith.addi %add3A_230, %iota3A : vector<16xi32>
        %lt3A_232 = vector.broadcast %reduce_max3A_17 : i32 to vector<16xi32>
        %lt3A_233 = arith.cmpi slt, %add3A_231, %lt3A_232 : vector<16xi32>
        %jit3A_234 = arith.constant 0 : i32
        %broadcast_in_dim3A_235 = vector.broadcast %jit3A_234 : i32 to vector<16xi32>
        %select_n3A_236 = arith.select %lt3A_233, %get3A_227, %broadcast_in_dim3A_235 : vector<16xi1>, vector<16xi32>
        %swap3A_237 = arith.constant 96 : index
        %swap3A_238 = tpu.vector_load %arg11[%swap3A_237] {strides = array<i32>} : memref<128xi32, #tpu.memory_space<vmem>>, vector<16xi32>,
        tpu.vector_store %arg11[%swap3A_237], %select_n3A_236 {strides = array<i32>} : memref<128xi32, #tpu.memory_space<vmem>>, vector<16xi32>,
        %jit3A_239 = arith.constant 1000 : i32
        %broadcast_in_dim3A_240 = vector.broadcast %jit3A_239 : i32 to vector<16xi32>
        %select_n3A_241 = arith.select %lt3A_233, %get3A_229, %broadcast_in_dim3A_240 : vector<16xi1>, vector<16xi32>
        %swap3A_242 = arith.constant 96 : index
        %swap3A_243 = tpu.vector_load %arg13[%swap3A_242] {strides = array<i32>} : memref<128xi32, #tpu.memory_space<vmem>>, vector<16xi32>,
        tpu.vector_store %arg13[%swap3A_242], %select_n3A_241 {strides = array<i32>} : memref<128xi32, #tpu.memory_space<vmem>>, vector<16xi32>,
        %add3A_244 = arith.constant 112 : i32
        %add3A_245 = arith.addi %mul3A_105, %add3A_244 : i32
        %get3A_246 = arith.index_cast %add3A_245 : i32 to index
        %get3A_247 = tpu.vector_load %arg8[%get3A_246] {strides = array<i32>} : memref<10128xi32, #tpu.memory_space<vmem>>, vector<16xi32>,
        %get3A_248 = arith.index_cast %add3A_245 : i32 to index
        %get3A_249 = tpu.vector_load %arg9[%get3A_248] {strides = array<i32>} : memref<10128xi32, #tpu.memory_space<vmem>>, vector<16xi32>,
        %add3A_250 = vector.broadcast %add3A_245 : i32 to vector<16xi32>
        %add3A_251 = arith.addi %add3A_250, %iota3A : vector<16xi32>
        %lt3A_252 = vector.broadcast %reduce_max3A_17 : i32 to vector<16xi32>
        %lt3A_253 = arith.cmpi slt, %add3A_251, %lt3A_252 : vector<16xi32>
        %jit3A_254 = arith.constant 0 : i32
        %broadcast_in_dim3A_255 = vector.broadcast %jit3A_254 : i32 to vector<16xi32>
        %select_n3A_256 = arith.select %lt3A_253, %get3A_247, %broadcast_in_dim3A_255 : vector<16xi1>, vector<16xi32>
        %swap3A_257 = arith.constant 112 : index
        %swap3A_258 = tpu.vector_load %arg11[%swap3A_257] {strides = array<i32>} : memref<128xi32, #tpu.memory_space<vmem>>, vector<16xi32>,
        tpu.vector_store %arg11[%swap3A_257], %select_n3A_256 {strides = array<i32>} : memref<128xi32, #tpu.memory_space<vmem>>, vector<16xi32>,
        %jit3A_259 = arith.constant 1000 : i32
        %broadcast_in_dim3A_260 = vector.broadcast %jit3A_259 : i32 to vector<16xi32>
        %select_n3A_261 = arith.select %lt3A_253, %get3A_249, %broadcast_in_dim3A_260 : vector<16xi1>, vector<16xi32>
        %swap3A_262 = arith.constant 112 : index
        %swap3A_263 = tpu.vector_load %arg13[%swap3A_262] {strides = array<i32>} : memref<128xi32, #tpu.memory_space<vmem>>, vector<16xi32>,
        tpu.vector_store %arg13[%swap3A_262], %select_n3A_261 {strides = array<i32>} : memref<128xi32, #tpu.memory_space<vmem>>, vector<16xi32>,
        %dma_start3A = arith.constant 0 : i32
        %dma_start3A_264 = arith.constant 0 : i32
        %dma_start3A_265 = tpu.memref_slice %arg2[%dma_start3A, %dma_start3A_264] : memref<10000x128xf32, #tpu.memory_space<hbm>> -> memref<10000x128xf32, #tpu.memory_space<hbm>>
        tpu.enqueue_indirect_dma source(%dma_start3A_265 : memref<10000x128xf32, #tpu.memory_space<hbm>>) target(%arg15 : memref<128x128xf32, #tpu.memory_space<vmem>>) offsets(%arg11 : memref<128xi32, #tpu.memory_space<vmem>>) semaphore(%arg18 : memref<!tpu.dma_semaphore, #tpu.memory_space<semaphore_mem>>)
      } else {
      }
      %dma_wait3A = arith.constant 0 : i32
      %dma_wait3A_87 = arith.constant 0 : i32
      %dma_wait3A_88 = tpu.memref_slice %arg2[%dma_wait3A, %dma_wait3A_87] : memref<10000x128xf32, #tpu.memory_space<hbm>> -> memref<10000x128xf32, #tpu.memory_space<hbm>>
      tpu.wait_indirect_dma semaphore(%arg17 : memref<!tpu.dma_semaphore, #tpu.memory_space<semaphore_mem>>) src(%dma_wait3A_88 : memref<10000x128xf32, #tpu.memory_space<hbm>>) dst(%arg14 : memref<128x128xf32, #tpu.memory_space<vmem>>)
      "tpu.region"() ({
        %run_scoped3A = tpu.sem_alloc : memref<!tpu.dma_semaphore, #tpu.memory_space<semaphore_mem>>
        %dma_start3A = arith.constant 0 : i32
        %dma_start3A_102 = arith.constant 0 : i32
        %dma_start3A_103 = tpu.memref_slice %arg16[%dma_start3A, %dma_start3A_102] : memref<1024x128xf32, #tpu.memory_space<vmem_shared>> -> memref<1024x128xf32, #tpu.memory_space<vmem_shared>>
        tpu.enqueue_indirect_dma source(%arg14 : memref<128x128xf32, #tpu.memory_space<vmem>>) target(%dma_start3A_103 : memref<1024x128xf32, #tpu.memory_space<vmem_shared>>) offsets(%arg12 : memref<128xi32, #tpu.memory_space<vmem>>) semaphore(%run_scoped3A : memref<!tpu.dma_semaphore, #tpu.memory_space<semaphore_mem>>) {add = true}
        %dma_wait3A_104 = arith.constant 0 : i32
        %dma_wait3A_105 = arith.constant 0 : i32
        %dma_wait3A_106 = tpu.memref_slice %arg16[%dma_wait3A_104, %dma_wait3A_105] : memref<1024x128xf32, #tpu.memory_space<vmem_shared>> -> memref<1024x128xf32, #tpu.memory_space<vmem_shared>>
        tpu.wait_indirect_dma semaphore(%run_scoped3A : memref<!tpu.dma_semaphore, #tpu.memory_space<semaphore_mem>>) src(%arg14 : memref<128x128xf32, #tpu.memory_space<vmem>>) dst(%dma_wait3A_106 : memref<1024x128xf32, #tpu.memory_space<vmem_shared>>)
        tpu.yield
      }) : () -> ()
      %add3A_89 = arith.constant 2 : i32
      %add3A_90 = arith.addi %mul3A_81, %add3A_89 : i32
      %lt3A_91 = arith.cmpi slt, %add3A_90, %select_n3A : i32
      %convert_element_type3A_92 = arith.extui %lt3A_91 : i1 to i32
      %cond3A_93 = arith.constant 0 : i32
      %cond3A_94 = arith.cmpi ne, %convert_element_type3A_92, %cond3A_93 : i32
      scf.if %cond3A_94 {
        %add3A_102 = arith.constant 2 : i32
        %add3A_103 = arith.addi %mul3A_81, %add3A_102 : i32
        %mul3A_104 = arith.constant 128 : i32
        %mul3A_105 = arith.muli %add3A_103, %mul3A_104 : i32
        %add3A_106 = arith.constant 0 : i32
        %add3A_107 = arith.addi %mul3A_105, %add3A_106 : i32
        %get3A = arith.index_cast %add3A_107 : i32 to index
        %get3A_108 = tpu.vector_load %arg8[%get3A] {strides = array<i32>} : memref<10128xi32, #tpu.memory_space<vmem>>, vector<16xi32>,
        %get3A_109 = arith.index_cast %add3A_107 : i32 to index
        %get3A_110 = tpu.vector_load %arg9[%get3A_109] {strides = array<i32>} : memref<10128xi32, #tpu.memory_space<vmem>>, vector<16xi32>,
        %add3A_111 = vector.broadcast %add3A_107 : i32 to vector<16xi32>
        %add3A_112 = arith.addi %add3A_111, %iota3A : vector<16xi32>
        %lt3A_113 = vector.broadcast %reduce_max3A_17 : i32 to vector<16xi32>
        %lt3A_114 = arith.cmpi slt, %add3A_112, %lt3A_113 : vector<16xi32>
        %jit3A_115 = arith.constant 0 : i32
        %broadcast_in_dim3A_116 = vector.broadcast %jit3A_115 : i32 to vector<16xi32>
        %select_n3A_117 = arith.select %lt3A_114, %get3A_108, %broadcast_in_dim3A_116 : vector<16xi1>, vector<16xi32>
        %swap3A = arith.constant 0 : index
        %swap3A_118 = tpu.vector_load %arg10[%swap3A] {strides = array<i32>} : memref<128xi32, #tpu.memory_space<vmem>>, vector<16xi32>,
        tpu.vector_store %arg10[%swap3A], %select_n3A_117 {strides = array<i32>} : memref<128xi32, #tpu.memory_space<vmem>>, vector<16xi32>,
        %jit3A_119 = arith.constant 1000 : i32
        %broadcast_in_dim3A_120 = vector.broadcast %jit3A_119 : i32 to vector<16xi32>
        %select_n3A_121 = arith.select %lt3A_114, %get3A_110, %broadcast_in_dim3A_120 : vector<16xi1>, vector<16xi32>
        %swap3A_122 = arith.constant 0 : index
        %swap3A_123 = tpu.vector_load %arg12[%swap3A_122] {strides = array<i32>} : memref<128xi32, #tpu.memory_space<vmem>>, vector<16xi32>,
        tpu.vector_store %arg12[%swap3A_122], %select_n3A_121 {strides = array<i32>} : memref<128xi32, #tpu.memory_space<vmem>>, vector<16xi32>,
        %add3A_124 = arith.constant 16 : i32
        %add3A_125 = arith.addi %mul3A_105, %add3A_124 : i32
        %get3A_126 = arith.index_cast %add3A_125 : i32 to index
        %get3A_127 = tpu.vector_load %arg8[%get3A_126] {strides = array<i32>} : memref<10128xi32, #tpu.memory_space<vmem>>, vector<16xi32>,
        %get3A_128 = arith.index_cast %add3A_125 : i32 to index
        %get3A_129 = tpu.vector_load %arg9[%get3A_128] {strides = array<i32>} : memref<10128xi32, #tpu.memory_space<vmem>>, vector<16xi32>,
        %add3A_130 = vector.broadcast %add3A_125 : i32 to vector<16xi32>
        %add3A_131 = arith.addi %add3A_130, %iota3A : vector<16xi32>
        %lt3A_132 = vector.broadcast %reduce_max3A_17 : i32 to vector<16xi32>
        %lt3A_133 = arith.cmpi slt, %add3A_131, %lt3A_132 : vector<16xi32>
        %jit3A_134 = arith.constant 0 : i32
        %broadcast_in_dim3A_135 = vector.broadcast %jit3A_134 : i32 to vector<16xi32>
        %select_n3A_136 = arith.select %lt3A_133, %get3A_127, %broadcast_in_dim3A_135 : vector<16xi1>, vector<16xi32>
        %swap3A_137 = arith.constant 16 : index
        %swap3A_138 = tpu.vector_load %arg10[%swap3A_137] {strides = array<i32>} : memref<128xi32, #tpu.memory_space<vmem>>, vector<16xi32>,
        tpu.vector_store %arg10[%swap3A_137], %select_n3A_136 {strides = array<i32>} : memref<128xi32, #tpu.memory_space<vmem>>, vector<16xi32>,
        %jit3A_139 = arith.constant 1000 : i32
        %broadcast_in_dim3A_140 = vector.broadcast %jit3A_139 : i32 to vector<16xi32>
        %select_n3A_141 = arith.select %lt3A_133, %get3A_129, %broadcast_in_dim3A_140 : vector<16xi1>, vector<16xi32>
        %swap3A_142 = arith.constant 16 : index
        %swap3A_143 = tpu.vector_load %arg12[%swap3A_142] {strides = array<i32>} : memref<128xi32, #tpu.memory_space<vmem>>, vector<16xi32>,
        tpu.vector_store %arg12[%swap3A_142], %select_n3A_141 {strides = array<i32>} : memref<128xi32, #tpu.memory_space<vmem>>, vector<16xi32>,
        %add3A_144 = arith.constant 32 : i32
        %add3A_145 = arith.addi %mul3A_105, %add3A_144 : i32
        %get3A_146 = arith.index_cast %add3A_145 : i32 to index
        %get3A_147 = tpu.vector_load %arg8[%get3A_146] {strides = array<i32>} : memref<10128xi32, #tpu.memory_space<vmem>>, vector<16xi32>,
        %get3A_148 = arith.index_cast %add3A_145 : i32 to index
        %get3A_149 = tpu.vector_load %arg9[%get3A_148] {strides = array<i32>} : memref<10128xi32, #tpu.memory_space<vmem>>, vector<16xi32>,
        %add3A_150 = vector.broadcast %add3A_145 : i32 to vector<16xi32>
        %add3A_151 = arith.addi %add3A_150, %iota3A : vector<16xi32>
        %lt3A_152 = vector.broadcast %reduce_max3A_17 : i32 to vector<16xi32>
        %lt3A_153 = arith.cmpi slt, %add3A_151, %lt3A_152 : vector<16xi32>
        %jit3A_154 = arith.constant 0 : i32
        %broadcast_in_dim3A_155 = vector.broadcast %jit3A_154 : i32 to vector<16xi32>
        %select_n3A_156 = arith.select %lt3A_153, %get3A_147, %broadcast_in_dim3A_155 : vector<16xi1>, vector<16xi32>
        %swap3A_157 = arith.constant 32 : index
        %swap3A_158 = tpu.vector_load %arg10[%swap3A_157] {strides = array<i32>} : memref<128xi32, #tpu.memory_space<vmem>>, vector<16xi32>,
        tpu.vector_store %arg10[%swap3A_157], %select_n3A_156 {strides = array<i32>} : memref<128xi32, #tpu.memory_space<vmem>>, vector<16xi32>,
        %jit3A_159 = arith.constant 1000 : i32
        %broadcast_in_dim3A_160 = vector.broadcast %jit3A_159 : i32 to vector<16xi32>
        %select_n3A_161 = arith.select %lt3A_153, %get3A_149, %broadcast_in_dim3A_160 : vector<16xi1>, vector<16xi32>
        %swap3A_162 = arith.constant 32 : index
        %swap3A_163 = tpu.vector_load %arg12[%swap3A_162] {strides = array<i32>} : memref<128xi32, #tpu.memory_space<vmem>>, vector<16xi32>,
        tpu.vector_store %arg12[%swap3A_162], %select_n3A_161 {strides = array<i32>} : memref<128xi32, #tpu.memory_space<vmem>>, vector<16xi32>,
        %add3A_164 = arith.constant 48 : i32
        %add3A_165 = arith.addi %mul3A_105, %add3A_164 : i32
        %get3A_166 = arith.index_cast %add3A_165 : i32 to index
        %get3A_167 = tpu.vector_load %arg8[%get3A_166] {strides = array<i32>} : memref<10128xi32, #tpu.memory_space<vmem>>, vector<16xi32>,
        %get3A_168 = arith.index_cast %add3A_165 : i32 to index
        %get3A_169 = tpu.vector_load %arg9[%get3A_168] {strides = array<i32>} : memref<10128xi32, #tpu.memory_space<vmem>>, vector<16xi32>,
        %add3A_170 = vector.broadcast %add3A_165 : i32 to vector<16xi32>
        %add3A_171 = arith.addi %add3A_170, %iota3A : vector<16xi32>
        %lt3A_172 = vector.broadcast %reduce_max3A_17 : i32 to vector<16xi32>
        %lt3A_173 = arith.cmpi slt, %add3A_171, %lt3A_172 : vector<16xi32>
        %jit3A_174 = arith.constant 0 : i32
        %broadcast_in_dim3A_175 = vector.broadcast %jit3A_174 : i32 to vector<16xi32>
        %select_n3A_176 = arith.select %lt3A_173, %get3A_167, %broadcast_in_dim3A_175 : vector<16xi1>, vector<16xi32>
        %swap3A_177 = arith.constant 48 : index
        %swap3A_178 = tpu.vector_load %arg10[%swap3A_177] {strides = array<i32>} : memref<128xi32, #tpu.memory_space<vmem>>, vector<16xi32>,
        tpu.vector_store %arg10[%swap3A_177], %select_n3A_176 {strides = array<i32>} : memref<128xi32, #tpu.memory_space<vmem>>, vector<16xi32>,
        %jit3A_179 = arith.constant 1000 : i32
        %broadcast_in_dim3A_180 = vector.broadcast %jit3A_179 : i32 to vector<16xi32>
        %select_n3A_181 = arith.select %lt3A_173, %get3A_169, %broadcast_in_dim3A_180 : vector<16xi1>, vector<16xi32>
        %swap3A_182 = arith.constant 48 : index
        %swap3A_183 = tpu.vector_load %arg12[%swap3A_182] {strides = array<i32>} : memref<128xi32, #tpu.memory_space<vmem>>, vector<16xi32>,
        tpu.vector_store %arg12[%swap3A_182], %select_n3A_181 {strides = array<i32>} : memref<128xi32, #tpu.memory_space<vmem>>, vector<16xi32>,
        %add3A_184 = arith.constant 64 : i32
        %add3A_185 = arith.addi %mul3A_105, %add3A_184 : i32
        %get3A_186 = arith.index_cast %add3A_185 : i32 to index
        %get3A_187 = tpu.vector_load %arg8[%get3A_186] {strides = array<i32>} : memref<10128xi32, #tpu.memory_space<vmem>>, vector<16xi32>,
        %get3A_188 = arith.index_cast %add3A_185 : i32 to index
        %get3A_189 = tpu.vector_load %arg9[%get3A_188] {strides = array<i32>} : memref<10128xi32, #tpu.memory_space<vmem>>, vector<16xi32>,
        %add3A_190 = vector.broadcast %add3A_185 : i32 to vector<16xi32>
        %add3A_191 = arith.addi %add3A_190, %iota3A : vector<16xi32>
        %lt3A_192 = vector.broadcast %reduce_max3A_17 : i32 to vector<16xi32>
        %lt3A_193 = arith.cmpi slt, %add3A_191, %lt3A_192 : vector<16xi32>
        %jit3A_194 = arith.constant 0 : i32
        %broadcast_in_dim3A_195 = vector.broadcast %jit3A_194 : i32 to vector<16xi32>
        %select_n3A_196 = arith.select %lt3A_193, %get3A_187, %broadcast_in_dim3A_195 : vector<16xi1>, vector<16xi32>
        %swap3A_197 = arith.constant 64 : index
        %swap3A_198 = tpu.vector_load %arg10[%swap3A_197] {strides = array<i32>} : memref<128xi32, #tpu.memory_space<vmem>>, vector<16xi32>,
        tpu.vector_store %arg10[%swap3A_197], %select_n3A_196 {strides = array<i32>} : memref<128xi32, #tpu.memory_space<vmem>>, vector<16xi32>,
        %jit3A_199 = arith.constant 1000 : i32
        %broadcast_in_dim3A_200 = vector.broadcast %jit3A_199 : i32 to vector<16xi32>
        %select_n3A_201 = arith.select %lt3A_193, %get3A_189, %broadcast_in_dim3A_200 : vector<16xi1>, vector<16xi32>
        %swap3A_202 = arith.constant 64 : index
        %swap3A_203 = tpu.vector_load %arg12[%swap3A_202] {strides = array<i32>} : memref<128xi32, #tpu.memory_space<vmem>>, vector<16xi32>,
        tpu.vector_store %arg12[%swap3A_202], %select_n3A_201 {strides = array<i32>} : memref<128xi32, #tpu.memory_space<vmem>>, vector<16xi32>,
        %add3A_204 = arith.constant 80 : i32
        %add3A_205 = arith.addi %mul3A_105, %add3A_204 : i32
        %get3A_206 = arith.index_cast %add3A_205 : i32 to index
        %get3A_207 = tpu.vector_load %arg8[%get3A_206] {strides = array<i32>} : memref<10128xi32, #tpu.memory_space<vmem>>, vector<16xi32>,
        %get3A_208 = arith.index_cast %add3A_205 : i32 to index
        %get3A_209 = tpu.vector_load %arg9[%get3A_208] {strides = array<i32>} : memref<10128xi32, #tpu.memory_space<vmem>>, vector<16xi32>,
        %add3A_210 = vector.broadcast %add3A_205 : i32 to vector<16xi32>
        %add3A_211 = arith.addi %add3A_210, %iota3A : vector<16xi32>
        %lt3A_212 = vector.broadcast %reduce_max3A_17 : i32 to vector<16xi32>
        %lt3A_213 = arith.cmpi slt, %add3A_211, %lt3A_212 : vector<16xi32>
        %jit3A_214 = arith.constant 0 : i32
        %broadcast_in_dim3A_215 = vector.broadcast %jit3A_214 : i32 to vector<16xi32>
        %select_n3A_216 = arith.select %lt3A_213, %get3A_207, %broadcast_in_dim3A_215 : vector<16xi1>, vector<16xi32>
        %swap3A_217 = arith.constant 80 : index
        %swap3A_218 = tpu.vector_load %arg10[%swap3A_217] {strides = array<i32>} : memref<128xi32, #tpu.memory_space<vmem>>, vector<16xi32>,
        tpu.vector_store %arg10[%swap3A_217], %select_n3A_216 {strides = array<i32>} : memref<128xi32, #tpu.memory_space<vmem>>, vector<16xi32>,
        %jit3A_219 = arith.constant 1000 : i32
        %broadcast_in_dim3A_220 = vector.broadcast %jit3A_219 : i32 to vector<16xi32>
        %select_n3A_221 = arith.select %lt3A_213, %get3A_209, %broadcast_in_dim3A_220 : vector<16xi1>, vector<16xi32>
        %swap3A_222 = arith.constant 80 : index
        %swap3A_223 = tpu.vector_load %arg12[%swap3A_222] {strides = array<i32>} : memref<128xi32, #tpu.memory_space<vmem>>, vector<16xi32>,
        tpu.vector_store %arg12[%swap3A_222], %select_n3A_221 {strides = array<i32>} : memref<128xi32, #tpu.memory_space<vmem>>, vector<16xi32>,
        %add3A_224 = arith.constant 96 : i32
        %add3A_225 = arith.addi %mul3A_105, %add3A_224 : i32
        %get3A_226 = arith.index_cast %add3A_225 : i32 to index
        %get3A_227 = tpu.vector_load %arg8[%get3A_226] {strides = array<i32>} : memref<10128xi32, #tpu.memory_space<vmem>>, vector<16xi32>,
        %get3A_228 = arith.index_cast %add3A_225 : i32 to index
        %get3A_229 = tpu.vector_load %arg9[%get3A_228] {strides = array<i32>} : memref<10128xi32, #tpu.memory_space<vmem>>, vector<16xi32>,
        %add3A_230 = vector.broadcast %add3A_225 : i32 to vector<16xi32>
        %add3A_231 = arith.addi %add3A_230, %iota3A : vector<16xi32>
        %lt3A_232 = vector.broadcast %reduce_max3A_17 : i32 to vector<16xi32>
        %lt3A_233 = arith.cmpi slt, %add3A_231, %lt3A_232 : vector<16xi32>
        %jit3A_234 = arith.constant 0 : i32
        %broadcast_in_dim3A_235 = vector.broadcast %jit3A_234 : i32 to vector<16xi32>
        %select_n3A_236 = arith.select %lt3A_233, %get3A_227, %broadcast_in_dim3A_235 : vector<16xi1>, vector<16xi32>
        %swap3A_237 = arith.constant 96 : index
        %swap3A_238 = tpu.vector_load %arg10[%swap3A_237] {strides = array<i32>} : memref<128xi32, #tpu.memory_space<vmem>>, vector<16xi32>,
        tpu.vector_store %arg10[%swap3A_237], %select_n3A_236 {strides = array<i32>} : memref<128xi32, #tpu.memory_space<vmem>>, vector<16xi32>,
        %jit3A_239 = arith.constant 1000 : i32
        %broadcast_in_dim3A_240 = vector.broadcast %jit3A_239 : i32 to vector<16xi32>
        %select_n3A_241 = arith.select %lt3A_233, %get3A_229, %broadcast_in_dim3A_240 : vector<16xi1>, vector<16xi32>
        %swap3A_242 = arith.constant 96 : index
        %swap3A_243 = tpu.vector_load %arg12[%swap3A_242] {strides = array<i32>} : memref<128xi32, #tpu.memory_space<vmem>>, vector<16xi32>,
        tpu.vector_store %arg12[%swap3A_242], %select_n3A_241 {strides = array<i32>} : memref<128xi32, #tpu.memory_space<vmem>>, vector<16xi32>,
        %add3A_244 = arith.constant 112 : i32
        %add3A_245 = arith.addi %mul3A_105, %add3A_244 : i32
        %get3A_246 = arith.index_cast %add3A_245 : i32 to index
        %get3A_247 = tpu.vector_load %arg8[%get3A_246] {strides = array<i32>} : memref<10128xi32, #tpu.memory_space<vmem>>, vector<16xi32>,
        %get3A_248 = arith.index_cast %add3A_245 : i32 to index
        %get3A_249 = tpu.vector_load %arg9[%get3A_248] {strides = array<i32>} : memref<10128xi32, #tpu.memory_space<vmem>>, vector<16xi32>,
        %add3A_250 = vector.broadcast %add3A_245 : i32 to vector<16xi32>
        %add3A_251 = arith.addi %add3A_250, %iota3A : vector<16xi32>
        %lt3A_252 = vector.broadcast %reduce_max3A_17 : i32 to vector<16xi32>
        %lt3A_253 = arith.cmpi slt, %add3A_251, %lt3A_252 : vector<16xi32>
        %jit3A_254 = arith.constant 0 : i32
        %broadcast_in_dim3A_255 = vector.broadcast %jit3A_254 : i32 to vector<16xi32>
        %select_n3A_256 = arith.select %lt3A_253, %get3A_247, %broadcast_in_dim3A_255 : vector<16xi1>, vector<16xi32>
        %swap3A_257 = arith.constant 112 : index
        %swap3A_258 = tpu.vector_load %arg10[%swap3A_257] {strides = array<i32>} : memref<128xi32, #tpu.memory_space<vmem>>, vector<16xi32>,
        tpu.vector_store %arg10[%swap3A_257], %select_n3A_256 {strides = array<i32>} : memref<128xi32, #tpu.memory_space<vmem>>, vector<16xi32>,
        %jit3A_259 = arith.constant 1000 : i32
        %broadcast_in_dim3A_260 = vector.broadcast %jit3A_259 : i32 to vector<16xi32>
        %select_n3A_261 = arith.select %lt3A_253, %get3A_249, %broadcast_in_dim3A_260 : vector<16xi1>, vector<16xi32>
        %swap3A_262 = arith.constant 112 : index
        %swap3A_263 = tpu.vector_load %arg12[%swap3A_262] {strides = array<i32>} : memref<128xi32, #tpu.memory_space<vmem>>, vector<16xi32>,
        tpu.vector_store %arg12[%swap3A_262], %select_n3A_261 {strides = array<i32>} : memref<128xi32, #tpu.memory_space<vmem>>, vector<16xi32>,
        %dma_start3A = arith.constant 0 : i32
        %dma_start3A_264 = arith.constant 0 : i32
        %dma_start3A_265 = tpu.memref_slice %arg2[%dma_start3A, %dma_start3A_264] : memref<10000x128xf32, #tpu.memory_space<hbm>> -> memref<10000x128xf32, #tpu.memory_space<hbm>>
        tpu.enqueue_indirect_dma source(%dma_start3A_265 : memref<10000x128xf32, #tpu.memory_space<hbm>>) target(%arg14 : memref<128x128xf32, #tpu.memory_space<vmem>>) offsets(%arg10 : memref<128xi32, #tpu.memory_space<vmem>>) semaphore(%arg17 : memref<!tpu.dma_semaphore, #tpu.memory_space<semaphore_mem>>)
      } else {
      }
      %add3A_95 = arith.constant 1 : i32
      %add3A_96 = arith.addi %mul3A_81, %add3A_95 : i32
      %lt3A_97 = arith.cmpi slt, %add3A_96, %select_n3A : i32
      %convert_element_type3A_98 = arith.extui %lt3A_97 : i1 to i32
      %cond3A_99 = arith.constant 0 : i32
      %cond3A_100 = arith.cmpi ne, %convert_element_type3A_98, %cond3A_99 : i32
      scf.if %cond3A_100 {
        %add3A_102 = arith.constant 1 : i32
        %add3A_103 = arith.addi %mul3A_81, %add3A_102 : i32
        %dma_wait3A_104 = arith.constant 0 : i32
        %dma_wait3A_105 = arith.constant 0 : i32
        %dma_wait3A_106 = tpu.memref_slice %arg2[%dma_wait3A_104, %dma_wait3A_105] : memref<10000x128xf32, #tpu.memory_space<hbm>> -> memref<10000x128xf32, #tpu.memory_space<hbm>>
        tpu.wait_indirect_dma semaphore(%arg18 : memref<!tpu.dma_semaphore, #tpu.memory_space<semaphore_mem>>) src(%dma_wait3A_106 : memref<10000x128xf32, #tpu.memory_space<hbm>>) dst(%arg15 : memref<128x128xf32, #tpu.memory_space<vmem>>)
        "tpu.region"() ({
          %run_scoped3A = tpu.sem_alloc : memref<!tpu.dma_semaphore, #tpu.memory_space<semaphore_mem>>
          %dma_start3A = arith.constant 0 : i32
          %dma_start3A_107 = arith.constant 0 : i32
          %dma_start3A_108 = tpu.memref_slice %arg16[%dma_start3A, %dma_start3A_107] : memref<1024x128xf32, #tpu.memory_space<vmem_shared>> -> memref<1024x128xf32, #tpu.memory_space<vmem_shared>>
          tpu.enqueue_indirect_dma source(%arg15 : memref<128x128xf32, #tpu.memory_space<vmem>>) target(%dma_start3A_108 : memref<1024x128xf32, #tpu.memory_space<vmem_shared>>) offsets(%arg13 : memref<128xi32, #tpu.memory_space<vmem>>) semaphore(%run_scoped3A : memref<!tpu.dma_semaphore, #tpu.memory_space<semaphore_mem>>) {add = true}
          %dma_wait3A_109 = arith.constant 0 : i32
          %dma_wait3A_110 = arith.constant 0 : i32
          %dma_wait3A_111 = tpu.memref_slice %arg16[%dma_wait3A_109, %dma_wait3A_110] : memref<1024x128xf32, #tpu.memory_space<vmem_shared>> -> memref<1024x128xf32, #tpu.memory_space<vmem_shared>>
          tpu.wait_indirect_dma semaphore(%run_scoped3A : memref<!tpu.dma_semaphore, #tpu.memory_space<semaphore_mem>>) src(%arg15 : memref<128x128xf32, #tpu.memory_space<vmem>>) dst(%dma_wait3A_111 : memref<1024x128xf32, #tpu.memory_space<vmem_shared>>)
          tpu.yield
        }) : () -> ()
      } else {
      }
      %while3A_101 = arith.constant 0 : i32
      scf.yield %while3A_101 : i32
    }
    %while3A_75 = arith.constant 1 : i32
    %while3A_76 = scf.for %while3A_78 = %while3A_72 to %while3A_68 step %while3A_75 iter_args(%while3A_79 = %while3A_74) -> (i32)  : i32 {
      %mul3A_80 = arith.constant 2 : i32
      %mul3A_81 = arith.muli %while3A_78, %mul3A_80 : i32
      %add3A_82 = arith.constant 1 : i32
      %add3A_83 = arith.addi %mul3A_81, %add3A_82 : i32
      %lt3A = arith.cmpi slt, %add3A_83, %select_n3A : i32
      %convert_element_type3A_84 = arith.extui %lt3A : i1 to i32
      %cond3A_85 = arith.constant 0 : i32
      %cond3A_86 = arith.cmpi ne, %convert_element_type3A_84, %cond3A_85 : i32
      scf.if %cond3A_86 {
        %add3A_102 = arith.constant 1 : i32
        %add3A_103 = arith.addi %mul3A_81, %add3A_102 : i32
        %mul3A_104 = arith.constant 128 : i32
        %mul3A_105 = arith.muli %add3A_103, %mul3A_104 : i32
        %add3A_106 = arith.constant 0 : i32
        %add3A_107 = arith.addi %mul3A_105, %add3A_106 : i32
        %get3A = arith.index_cast %add3A_107 : i32 to index
        %get3A_108 = tpu.vector_load %arg8[%get3A] {strides = array<i32>} : memref<10128xi32, #tpu.memory_space<vmem>>, vector<16xi32>,
        %get3A_109 = arith.index_cast %add3A_107 : i32 to index
        %get3A_110 = tpu.vector_load %arg9[%get3A_109] {strides = array<i32>} : memref<10128xi32, #tpu.memory_space<vmem>>, vector<16xi32>,
        %add3A_111 = vector.broadcast %add3A_107 : i32 to vector<16xi32>
        %add3A_112 = arith.addi %add3A_111, %iota3A : vector<16xi32>
        %lt3A_113 = vector.broadcast %reduce_max3A_17 : i32 to vector<16xi32>
        %lt3A_114 = arith.cmpi slt, %add3A_112, %lt3A_113 : vector<16xi32>
        %jit3A_115 = arith.constant 0 : i32
        %broadcast_in_dim3A_116 = vector.broadcast %jit3A_115 : i32 to vector<16xi32>
        %select_n3A_117 = arith.select %lt3A_114, %get3A_108, %broadcast_in_dim3A_116 : vector<16xi1>, vector<16xi32>
        %swap3A = arith.constant 0 : index
        %swap3A_118 = tpu.vector_load %arg11[%swap3A] {strides = array<i32>} : memref<128xi32, #tpu.memory_space<vmem>>, vector<16xi32>,
        tpu.vector_store %arg11[%swap3A], %select_n3A_117 {strides = array<i32>} : memref<128xi32, #tpu.memory_space<vmem>>, vector<16xi32>,
        %jit3A_119 = arith.constant 1000 : i32
        %broadcast_in_dim3A_120 = vector.broadcast %jit3A_119 : i32 to vector<16xi32>
        %select_n3A_121 = arith.select %lt3A_114, %get3A_110, %broadcast_in_dim3A_120 : vector<16xi1>, vector<16xi32>
        %swap3A_122 = arith.constant 0 : index
        %swap3A_123 = tpu.vector_load %arg13[%swap3A_122] {strides = array<i32>} : memref<128xi32, #tpu.memory_space<vmem>>, vector<16xi32>,
        tpu.vector_store %arg13[%swap3A_122], %select_n3A_121 {strides = array<i32>} : memref<128xi32, #tpu.memory_space<vmem>>, vector<16xi32>,
        %add3A_124 = arith.constant 16 : i32
        %add3A_125 = arith.addi %mul3A_105, %add3A_124 : i32
        %get3A_126 = arith.index_cast %add3A_125 : i32 to index
        %get3A_127 = tpu.vector_load %arg8[%get3A_126] {strides = array<i32>} : memref<10128xi32, #tpu.memory_space<vmem>>, vector<16xi32>,
        %get3A_128 = arith.index_cast %add3A_125 : i32 to index
        %get3A_129 = tpu.vector_load %arg9[%get3A_128] {strides = array<i32>} : memref<10128xi32, #tpu.memory_space<vmem>>, vector<16xi32>,
        %add3A_130 = vector.broadcast %add3A_125 : i32 to vector<16xi32>
        %add3A_131 = arith.addi %add3A_130, %iota3A : vector<16xi32>
        %lt3A_132 = vector.broadcast %reduce_max3A_17 : i32 to vector<16xi32>
        %lt3A_133 = arith.cmpi slt, %add3A_131, %lt3A_132 : vector<16xi32>
        %jit3A_134 = arith.constant 0 : i32
        %broadcast_in_dim3A_135 = vector.broadcast %jit3A_134 : i32 to vector<16xi32>
        %select_n3A_136 = arith.select %lt3A_133, %get3A_127, %broadcast_in_dim3A_135 : vector<16xi1>, vector<16xi32>
        %swap3A_137 = arith.constant 16 : index
        %swap3A_138 = tpu.vector_load %arg11[%swap3A_137] {strides = array<i32>} : memref<128xi32, #tpu.memory_space<vmem>>, vector<16xi32>,
        tpu.vector_store %arg11[%swap3A_137], %select_n3A_136 {strides = array<i32>} : memref<128xi32, #tpu.memory_space<vmem>>, vector<16xi32>,
        %jit3A_139 = arith.constant 1000 : i32
        %broadcast_in_dim3A_140 = vector.broadcast %jit3A_139 : i32 to vector<16xi32>
        %select_n3A_141 = arith.select %lt3A_133, %get3A_129, %broadcast_in_dim3A_140 : vector<16xi1>, vector<16xi32>
        %swap3A_142 = arith.constant 16 : index
        %swap3A_143 = tpu.vector_load %arg13[%swap3A_142] {strides = array<i32>} : memref<128xi32, #tpu.memory_space<vmem>>, vector<16xi32>,
        tpu.vector_store %arg13[%swap3A_142], %select_n3A_141 {strides = array<i32>} : memref<128xi32, #tpu.memory_space<vmem>>, vector<16xi32>,
        %add3A_144 = arith.constant 32 : i32
        %add3A_145 = arith.addi %mul3A_105, %add3A_144 : i32
        %get3A_146 = arith.index_cast %add3A_145 : i32 to index
        %get3A_147 = tpu.vector_load %arg8[%get3A_146] {strides = array<i32>} : memref<10128xi32, #tpu.memory_space<vmem>>, vector<16xi32>,
        %get3A_148 = arith.index_cast %add3A_145 : i32 to index
        %get3A_149 = tpu.vector_load %arg9[%get3A_148] {strides = array<i32>} : memref<10128xi32, #tpu.memory_space<vmem>>, vector<16xi32>,
        %add3A_150 = vector.broadcast %add3A_145 : i32 to vector<16xi32>
        %add3A_151 = arith.addi %add3A_150, %iota3A : vector<16xi32>
        %lt3A_152 = vector.broadcast %reduce_max3A_17 : i32 to vector<16xi32>
        %lt3A_153 = arith.cmpi slt, %add3A_151, %lt3A_152 : vector<16xi32>
        %jit3A_154 = arith.constant 0 : i32
        %broadcast_in_dim3A_155 = vector.broadcast %jit3A_154 : i32 to vector<16xi32>
        %select_n3A_156 = arith.select %lt3A_153, %get3A_147, %broadcast_in_dim3A_155 : vector<16xi1>, vector<16xi32>
        %swap3A_157 = arith.constant 32 : index
        %swap3A_158 = tpu.vector_load %arg11[%swap3A_157] {strides = array<i32>} : memref<128xi32, #tpu.memory_space<vmem>>, vector<16xi32>,
        tpu.vector_store %arg11[%swap3A_157], %select_n3A_156 {strides = array<i32>} : memref<128xi32, #tpu.memory_space<vmem>>, vector<16xi32>,
        %jit3A_159 = arith.constant 1000 : i32
        %broadcast_in_dim3A_160 = vector.broadcast %jit3A_159 : i32 to vector<16xi32>
        %select_n3A_161 = arith.select %lt3A_153, %get3A_149, %broadcast_in_dim3A_160 : vector<16xi1>, vector<16xi32>
        %swap3A_162 = arith.constant 32 : index
        %swap3A_163 = tpu.vector_load %arg13[%swap3A_162] {strides = array<i32>} : memref<128xi32, #tpu.memory_space<vmem>>, vector<16xi32>,
        tpu.vector_store %arg13[%swap3A_162], %select_n3A_161 {strides = array<i32>} : memref<128xi32, #tpu.memory_space<vmem>>, vector<16xi32>,
        %add3A_164 = arith.constant 48 : i32
        %add3A_165 = arith.addi %mul3A_105, %add3A_164 : i32
        %get3A_166 = arith.index_cast %add3A_165 : i32 to index
        %get3A_167 = tpu.vector_load %arg8[%get3A_166] {strides = array<i32>} : memref<10128xi32, #tpu.memory_space<vmem>>, vector<16xi32>,
        %get3A_168 = arith.index_cast %add3A_165 : i32 to index
        %get3A_169 = tpu.vector_load %arg9[%get3A_168] {strides = array<i32>} : memref<10128xi32, #tpu.memory_space<vmem>>, vector<16xi32>,
        %add3A_170 = vector.broadcast %add3A_165 : i32 to vector<16xi32>
        %add3A_171 = arith.addi %add3A_170, %iota3A : vector<16xi32>
        %lt3A_172 = vector.broadcast %reduce_max3A_17 : i32 to vector<16xi32>
        %lt3A_173 = arith.cmpi slt, %add3A_171, %lt3A_172 : vector<16xi32>
        %jit3A_174 = arith.constant 0 : i32
        %broadcast_in_dim3A_175 = vector.broadcast %jit3A_174 : i32 to vector<16xi32>
        %select_n3A_176 = arith.select %lt3A_173, %get3A_167, %broadcast_in_dim3A_175 : vector<16xi1>, vector<16xi32>
        %swap3A_177 = arith.constant 48 : index
        %swap3A_178 = tpu.vector_load %arg11[%swap3A_177] {strides = array<i32>} : memref<128xi32, #tpu.memory_space<vmem>>, vector<16xi32>,
        tpu.vector_store %arg11[%swap3A_177], %select_n3A_176 {strides = array<i32>} : memref<128xi32, #tpu.memory_space<vmem>>, vector<16xi32>,
        %jit3A_179 = arith.constant 1000 : i32
        %broadcast_in_dim3A_180 = vector.broadcast %jit3A_179 : i32 to vector<16xi32>
        %select_n3A_181 = arith.select %lt3A_173, %get3A_169, %broadcast_in_dim3A_180 : vector<16xi1>, vector<16xi32>
        %swap3A_182 = arith.constant 48 : index
        %swap3A_183 = tpu.vector_load %arg13[%swap3A_182] {strides = array<i32>} : memref<128xi32, #tpu.memory_space<vmem>>, vector<16xi32>,
        tpu.vector_store %arg13[%swap3A_182], %select_n3A_181 {strides = array<i32>} : memref<128xi32, #tpu.memory_space<vmem>>, vector<16xi32>,
        %add3A_184 = arith.constant 64 : i32
        %add3A_185 = arith.addi %mul3A_105, %add3A_184 : i32
        %get3A_186 = arith.index_cast %add3A_185 : i32 to index
        %get3A_187 = tpu.vector_load %arg8[%get3A_186] {strides = array<i32>} : memref<10128xi32, #tpu.memory_space<vmem>>, vector<16xi32>,
        %get3A_188 = arith.index_cast %add3A_185 : i32 to index
        %get3A_189 = tpu.vector_load %arg9[%get3A_188] {strides = array<i32>} : memref<10128xi32, #tpu.memory_space<vmem>>, vector<16xi32>,
        %add3A_190 = vector.broadcast %add3A_185 : i32 to vector<16xi32>
        %add3A_191 = arith.addi %add3A_190, %iota3A : vector<16xi32>
        %lt3A_192 = vector.broadcast %reduce_max3A_17 : i32 to vector<16xi32>
        %lt3A_193 = arith.cmpi slt, %add3A_191, %lt3A_192 : vector<16xi32>
        %jit3A_194 = arith.constant 0 : i32
        %broadcast_in_dim3A_195 = vector.broadcast %jit3A_194 : i32 to vector<16xi32>
        %select_n3A_196 = arith.select %lt3A_193, %get3A_187, %broadcast_in_dim3A_195 : vector<16xi1>, vector<16xi32>
        %swap3A_197 = arith.constant 64 : index
        %swap3A_198 = tpu.vector_load %arg11[%swap3A_197] {strides = array<i32>} : memref<128xi32, #tpu.memory_space<vmem>>, vector<16xi32>,
        tpu.vector_store %arg11[%swap3A_197], %select_n3A_196 {strides = array<i32>} : memref<128xi32, #tpu.memory_space<vmem>>, vector<16xi32>,
        %jit3A_199 = arith.constant 1000 : i32
        %broadcast_in_dim3A_200 = vector.broadcast %jit3A_199 : i32 to vector<16xi32>
        %select_n3A_201 = arith.select %lt3A_193, %get3A_189, %broadcast_in_dim3A_200 : vector<16xi1>, vector<16xi32>
        %swap3A_202 = arith.constant 64 : index
        %swap3A_203 = tpu.vector_load %arg13[%swap3A_202] {strides = array<i32>} : memref<128xi32, #tpu.memory_space<vmem>>, vector<16xi32>,
        tpu.vector_store %arg13[%swap3A_202], %select_n3A_201 {strides = array<i32>} : memref<128xi32, #tpu.memory_space<vmem>>, vector<16xi32>,
        %add3A_204 = arith.constant 80 : i32
        %add3A_205 = arith.addi %mul3A_105, %add3A_204 : i32
        %get3A_206 = arith.index_cast %add3A_205 : i32 to index
        %get3A_207 = tpu.vector_load %arg8[%get3A_206] {strides = array<i32>} : memref<10128xi32, #tpu.memory_space<vmem>>, vector<16xi32>,
        %get3A_208 = arith.index_cast %add3A_205 : i32 to index
        %get3A_209 = tpu.vector_load %arg9[%get3A_208] {strides = array<i32>} : memref<10128xi32, #tpu.memory_space<vmem>>, vector<16xi32>,
        %add3A_210 = vector.broadcast %add3A_205 : i32 to vector<16xi32>
        %add3A_211 = arith.addi %add3A_210, %iota3A : vector<16xi32>
        %lt3A_212 = vector.broadcast %reduce_max3A_17 : i32 to vector<16xi32>
        %lt3A_213 = arith.cmpi slt, %add3A_211, %lt3A_212 : vector<16xi32>
        %jit3A_214 = arith.constant 0 : i32
        %broadcast_in_dim3A_215 = vector.broadcast %jit3A_214 : i32 to vector<16xi32>
        %select_n3A_216 = arith.select %lt3A_213, %get3A_207, %broadcast_in_dim3A_215 : vector<16xi1>, vector<16xi32>
        %swap3A_217 = arith.constant 80 : index
        %swap3A_218 = tpu.vector_load %arg11[%swap3A_217] {strides = array<i32>} : memref<128xi32, #tpu.memory_space<vmem>>, vector<16xi32>,
        tpu.vector_store %arg11[%swap3A_217], %select_n3A_216 {strides = array<i32>} : memref<128xi32, #tpu.memory_space<vmem>>, vector<16xi32>,
        %jit3A_219 = arith.constant 1000 : i32
        %broadcast_in_dim3A_220 = vector.broadcast %jit3A_219 : i32 to vector<16xi32>
        %select_n3A_221 = arith.select %lt3A_213, %get3A_209, %broadcast_in_dim3A_220 : vector<16xi1>, vector<16xi32>
        %swap3A_222 = arith.constant 80 : index
        %swap3A_223 = tpu.vector_load %arg13[%swap3A_222] {strides = array<i32>} : memref<128xi32, #tpu.memory_space<vmem>>, vector<16xi32>,
        tpu.vector_store %arg13[%swap3A_222], %select_n3A_221 {strides = array<i32>} : memref<128xi32, #tpu.memory_space<vmem>>, vector<16xi32>,
        %add3A_224 = arith.constant 96 : i32
        %add3A_225 = arith.addi %mul3A_105, %add3A_224 : i32
        %get3A_226 = arith.index_cast %add3A_225 : i32 to index
        %get3A_227 = tpu.vector_load %arg8[%get3A_226] {strides = array<i32>} : memref<10128xi32, #tpu.memory_space<vmem>>, vector<16xi32>,
        %get3A_228 = arith.index_cast %add3A_225 : i32 to index
        %get3A_229 = tpu.vector_load %arg9[%get3A_228] {strides = array<i32>} : memref<10128xi32, #tpu.memory_space<vmem>>, vector<16xi32>,
        %add3A_230 = vector.broadcast %add3A_225 : i32 to vector<16xi32>
        %add3A_231 = arith.addi %add3A_230, %iota3A : vector<16xi32>
        %lt3A_232 = vector.broadcast %reduce_max3A_17 : i32 to vector<16xi32>
        %lt3A_233 = arith.cmpi slt, %add3A_231, %lt3A_232 : vector<16xi32>
        %jit3A_234 = arith.constant 0 : i32
        %broadcast_in_dim3A_235 = vector.broadcast %jit3A_234 : i32 to vector<16xi32>
        %select_n3A_236 = arith.select %lt3A_233, %get3A_227, %broadcast_in_dim3A_235 : vector<16xi1>, vector<16xi32>
        %swap3A_237 = arith.constant 96 : index
        %swap3A_238 = tpu.vector_load %arg11[%swap3A_237] {strides = array<i32>} : memref<128xi32, #tpu.memory_space<vmem>>, vector<16xi32>,
        tpu.vector_store %arg11[%swap3A_237], %select_n3A_236 {strides = array<i32>} : memref<128xi32, #tpu.memory_space<vmem>>, vector<16xi32>,
        %jit3A_239 = arith.constant 1000 : i32
        %broadcast_in_dim3A_240 = vector.broadcast %jit3A_239 : i32 to vector<16xi32>
        %select_n3A_241 = arith.select %lt3A_233, %get3A_229, %broadcast_in_dim3A_240 : vector<16xi1>, vector<16xi32>
        %swap3A_242 = arith.constant 96 : index
        %swap3A_243 = tpu.vector_load %arg13[%swap3A_242] {strides = array<i32>} : memref<128xi32, #tpu.memory_space<vmem>>, vector<16xi32>,
        tpu.vector_store %arg13[%swap3A_242], %select_n3A_241 {strides = array<i32>} : memref<128xi32, #tpu.memory_space<vmem>>, vector<16xi32>,
        %add3A_244 = arith.constant 112 : i32
        %add3A_245 = arith.addi %mul3A_105, %add3A_244 : i32
        %get3A_246 = arith.index_cast %add3A_245 : i32 to index
        %get3A_247 = tpu.vector_load %arg8[%get3A_246] {strides = array<i32>} : memref<10128xi32, #tpu.memory_space<vmem>>, vector<16xi32>,
        %get3A_248 = arith.index_cast %add3A_245 : i32 to index
        %get3A_249 = tpu.vector_load %arg9[%get3A_248] {strides = array<i32>} : memref<10128xi32, #tpu.memory_space<vmem>>, vector<16xi32>,
        %add3A_250 = vector.broadcast %add3A_245 : i32 to vector<16xi32>
        %add3A_251 = arith.addi %add3A_250, %iota3A : vector<16xi32>
        %lt3A_252 = vector.broadcast %reduce_max3A_17 : i32 to vector<16xi32>
        %lt3A_253 = arith.cmpi slt, %add3A_251, %lt3A_252 : vector<16xi32>
        %jit3A_254 = arith.constant 0 : i32
        %broadcast_in_dim3A_255 = vector.broadcast %jit3A_254 : i32 to vector<16xi32>
        %select_n3A_256 = arith.select %lt3A_253, %get3A_247, %broadcast_in_dim3A_255 : vector<16xi1>, vector<16xi32>
        %swap3A_257 = arith.constant 112 : index
        %swap3A_258 = tpu.vector_load %arg11[%swap3A_257] {strides = array<i32>} : memref<128xi32, #tpu.memory_space<vmem>>, vector<16xi32>,
        tpu.vector_store %arg11[%swap3A_257], %select_n3A_256 {strides = array<i32>} : memref<128xi32, #tpu.memory_space<vmem>>, vector<16xi32>,
        %jit3A_259 = arith.constant 1000 : i32
        %broadcast_in_dim3A_260 = vector.broadcast %jit3A_259 : i32 to vector<16xi32>
        %select_n3A_261 = arith.select %lt3A_253, %get3A_249, %broadcast_in_dim3A_260 : vector<16xi1>, vector<16xi32>
        %swap3A_262 = arith.constant 112 : index
        %swap3A_263 = tpu.vector_load %arg13[%swap3A_262] {strides = array<i32>} : memref<128xi32, #tpu.memory_space<vmem>>, vector<16xi32>,
        tpu.vector_store %arg13[%swap3A_262], %select_n3A_261 {strides = array<i32>} : memref<128xi32, #tpu.memory_space<vmem>>, vector<16xi32>,
        %dma_start3A = arith.constant 0 : i32
        %dma_start3A_264 = arith.constant 0 : i32
        %dma_start3A_265 = tpu.memref_slice %arg2[%dma_start3A, %dma_start3A_264] : memref<10000x128xf32, #tpu.memory_space<hbm>> -> memref<10000x128xf32, #tpu.memory_space<hbm>>
        tpu.enqueue_indirect_dma source(%dma_start3A_265 : memref<10000x128xf32, #tpu.memory_space<hbm>>) target(%arg15 : memref<128x128xf32, #tpu.memory_space<vmem>>) offsets(%arg11 : memref<128xi32, #tpu.memory_space<vmem>>) semaphore(%arg18 : memref<!tpu.dma_semaphore, #tpu.memory_space<semaphore_mem>>)
      } else {
      }
      %dma_wait3A = arith.constant 0 : i32
      %dma_wait3A_87 = arith.constant 0 : i32
      %dma_wait3A_88 = tpu.memref_slice %arg2[%dma_wait3A, %dma_wait3A_87] : memref<10000x128xf32, #tpu.memory_space<hbm>> -> memref<10000x128xf32, #tpu.memory_space<hbm>>
      tpu.wait_indirect_dma semaphore(%arg17 : memref<!tpu.dma_semaphore, #tpu.memory_space<semaphore_mem>>) src(%dma_wait3A_88 : memref<10000x128xf32, #tpu.memory_space<hbm>>) dst(%arg14 : memref<128x128xf32, #tpu.memory_space<vmem>>)
      "tpu.region"() ({
        %run_scoped3A = tpu.sem_alloc : memref<!tpu.dma_semaphore, #tpu.memory_space<semaphore_mem>>
        %dma_start3A = arith.constant 0 : i32
        %dma_start3A_102 = arith.constant 0 : i32
        %dma_start3A_103 = tpu.memref_slice %arg16[%dma_start3A, %dma_start3A_102] : memref<1024x128xf32, #tpu.memory_space<vmem_shared>> -> memref<1024x128xf32, #tpu.memory_space<vmem_shared>>
        tpu.enqueue_indirect_dma source(%arg14 : memref<128x128xf32, #tpu.memory_space<vmem>>) target(%dma_start3A_103 : memref<1024x128xf32, #tpu.memory_space<vmem_shared>>) offsets(%arg12 : memref<128xi32, #tpu.memory_space<vmem>>) semaphore(%run_scoped3A : memref<!tpu.dma_semaphore, #tpu.memory_space<semaphore_mem>>) {add = true}
        %dma_wait3A_104 = arith.constant 0 : i32
        %dma_wait3A_105 = arith.constant 0 : i32
        %dma_wait3A_106 = tpu.memref_slice %arg16[%dma_wait3A_104, %dma_wait3A_105] : memref<1024x128xf32, #tpu.memory_space<vmem_shared>> -> memref<1024x128xf32, #tpu.memory_space<vmem_shared>>
        tpu.wait_indirect_dma semaphore(%run_scoped3A : memref<!tpu.dma_semaphore, #tpu.memory_space<semaphore_mem>>) src(%arg14 : memref<128x128xf32, #tpu.memory_space<vmem>>) dst(%dma_wait3A_106 : memref<1024x128xf32, #tpu.memory_space<vmem_shared>>)
        tpu.yield
      }) : () -> ()
      %add3A_89 = arith.constant 2 : i32
      %add3A_90 = arith.addi %mul3A_81, %add3A_89 : i32
      %lt3A_91 = arith.cmpi slt, %add3A_90, %select_n3A : i32
      %convert_element_type3A_92 = arith.extui %lt3A_91 : i1 to i32
      %cond3A_93 = arith.constant 0 : i32
      %cond3A_94 = arith.cmpi ne, %convert_element_type3A_92, %cond3A_93 : i32
      scf.if %cond3A_94 {
        %add3A_102 = arith.constant 2 : i32
        %add3A_103 = arith.addi %mul3A_81, %add3A_102 : i32
        %mul3A_104 = arith.constant 128 : i32
        %mul3A_105 = arith.muli %add3A_103, %mul3A_104 : i32
        %add3A_106 = arith.constant 0 : i32
        %add3A_107 = arith.addi %mul3A_105, %add3A_106 : i32
        %get3A = arith.index_cast %add3A_107 : i32 to index
        %get3A_108 = tpu.vector_load %arg8[%get3A] {strides = array<i32>} : memref<10128xi32, #tpu.memory_space<vmem>>, vector<16xi32>,
        %get3A_109 = arith.index_cast %add3A_107 : i32 to index
        %get3A_110 = tpu.vector_load %arg9[%get3A_109] {strides = array<i32>} : memref<10128xi32, #tpu.memory_space<vmem>>, vector<16xi32>,
        %add3A_111 = vector.broadcast %add3A_107 : i32 to vector<16xi32>
        %add3A_112 = arith.addi %add3A_111, %iota3A : vector<16xi32>
        %lt3A_113 = vector.broadcast %reduce_max3A_17 : i32 to vector<16xi32>
        %lt3A_114 = arith.cmpi slt, %add3A_112, %lt3A_113 : vector<16xi32>
        %jit3A_115 = arith.constant 0 : i32
        %broadcast_in_dim3A_116 = vector.broadcast %jit3A_115 : i32 to vector<16xi32>
        %select_n3A_117 = arith.select %lt3A_114, %get3A_108, %broadcast_in_dim3A_116 : vector<16xi1>, vector<16xi32>
        %swap3A = arith.constant 0 : index
        %swap3A_118 = tpu.vector_load %arg10[%swap3A] {strides = array<i32>} : memref<128xi32, #tpu.memory_space<vmem>>, vector<16xi32>,
        tpu.vector_store %arg10[%swap3A], %select_n3A_117 {strides = array<i32>} : memref<128xi32, #tpu.memory_space<vmem>>, vector<16xi32>,
        %jit3A_119 = arith.constant 1000 : i32
        %broadcast_in_dim3A_120 = vector.broadcast %jit3A_119 : i32 to vector<16xi32>
        %select_n3A_121 = arith.select %lt3A_114, %get3A_110, %broadcast_in_dim3A_120 : vector<16xi1>, vector<16xi32>
        %swap3A_122 = arith.constant 0 : index
        %swap3A_123 = tpu.vector_load %arg12[%swap3A_122] {strides = array<i32>} : memref<128xi32, #tpu.memory_space<vmem>>, vector<16xi32>,
        tpu.vector_store %arg12[%swap3A_122], %select_n3A_121 {strides = array<i32>} : memref<128xi32, #tpu.memory_space<vmem>>, vector<16xi32>,
        %add3A_124 = arith.constant 16 : i32
        %add3A_125 = arith.addi %mul3A_105, %add3A_124 : i32
        %get3A_126 = arith.index_cast %add3A_125 : i32 to index
        %get3A_127 = tpu.vector_load %arg8[%get3A_126] {strides = array<i32>} : memref<10128xi32, #tpu.memory_space<vmem>>, vector<16xi32>,
        %get3A_128 = arith.index_cast %add3A_125 : i32 to index
        %get3A_129 = tpu.vector_load %arg9[%get3A_128] {strides = array<i32>} : memref<10128xi32, #tpu.memory_space<vmem>>, vector<16xi32>,
        %add3A_130 = vector.broadcast %add3A_125 : i32 to vector<16xi32>
        %add3A_131 = arith.addi %add3A_130, %iota3A : vector<16xi32>
        %lt3A_132 = vector.broadcast %reduce_max3A_17 : i32 to vector<16xi32>
        %lt3A_133 = arith.cmpi slt, %add3A_131, %lt3A_132 : vector<16xi32>
        %jit3A_134 = arith.constant 0 : i32
        %broadcast_in_dim3A_135 = vector.broadcast %jit3A_134 : i32 to vector<16xi32>
        %select_n3A_136 = arith.select %lt3A_133, %get3A_127, %broadcast_in_dim3A_135 : vector<16xi1>, vector<16xi32>
        %swap3A_137 = arith.constant 16 : index
        %swap3A_138 = tpu.vector_load %arg10[%swap3A_137] {strides = array<i32>} : memref<128xi32, #tpu.memory_space<vmem>>, vector<16xi32>,
        tpu.vector_store %arg10[%swap3A_137], %select_n3A_136 {strides = array<i32>} : memref<128xi32, #tpu.memory_space<vmem>>, vector<16xi32>,
        %jit3A_139 = arith.constant 1000 : i32
        %broadcast_in_dim3A_140 = vector.broadcast %jit3A_139 : i32 to vector<16xi32>
        %select_n3A_141 = arith.select %lt3A_133, %get3A_129, %broadcast_in_dim3A_140 : vector<16xi1>, vector<16xi32>
        %swap3A_142 = arith.constant 16 : index
        %swap3A_143 = tpu.vector_load %arg12[%swap3A_142] {strides = array<i32>} : memref<128xi32, #tpu.memory_space<vmem>>, vector<16xi32>,
        tpu.vector_store %arg12[%swap3A_142], %select_n3A_141 {strides = array<i32>} : memref<128xi32, #tpu.memory_space<vmem>>, vector<16xi32>,
        %add3A_144 = arith.constant 32 : i32
        %add3A_145 = arith.addi %mul3A_105, %add3A_144 : i32
        %get3A_146 = arith.index_cast %add3A_145 : i32 to index
        %get3A_147 = tpu.vector_load %arg8[%get3A_146] {strides = array<i32>} : memref<10128xi32, #tpu.memory_space<vmem>>, vector<16xi32>,
        %get3A_148 = arith.index_cast %add3A_145 : i32 to index
        %get3A_149 = tpu.vector_load %arg9[%get3A_148] {strides = array<i32>} : memref<10128xi32, #tpu.memory_space<vmem>>, vector<16xi32>,
        %add3A_150 = vector.broadcast %add3A_145 : i32 to vector<16xi32>
        %add3A_151 = arith.addi %add3A_150, %iota3A : vector<16xi32>
        %lt3A_152 = vector.broadcast %reduce_max3A_17 : i32 to vector<16xi32>
        %lt3A_153 = arith.cmpi slt, %add3A_151, %lt3A_152 : vector<16xi32>
        %jit3A_154 = arith.constant 0 : i32
        %broadcast_in_dim3A_155 = vector.broadcast %jit3A_154 : i32 to vector<16xi32>
        %select_n3A_156 = arith.select %lt3A_153, %get3A_147, %broadcast_in_dim3A_155 : vector<16xi1>, vector<16xi32>
        %swap3A_157 = arith.constant 32 : index
        %swap3A_158 = tpu.vector_load %arg10[%swap3A_157] {strides = array<i32>} : memref<128xi32, #tpu.memory_space<vmem>>, vector<16xi32>,
        tpu.vector_store %arg10[%swap3A_157], %select_n3A_156 {strides = array<i32>} : memref<128xi32, #tpu.memory_space<vmem>>, vector<16xi32>,
        %jit3A_159 = arith.constant 1000 : i32
        %broadcast_in_dim3A_160 = vector.broadcast %jit3A_159 : i32 to vector<16xi32>
        %select_n3A_161 = arith.select %lt3A_153, %get3A_149, %broadcast_in_dim3A_160 : vector<16xi1>, vector<16xi32>
        %swap3A_162 = arith.constant 32 : index
        %swap3A_163 = tpu.vector_load %arg12[%swap3A_162] {strides = array<i32>} : memref<128xi32, #tpu.memory_space<vmem>>, vector<16xi32>,
        tpu.vector_store %arg12[%swap3A_162], %select_n3A_161 {strides = array<i32>} : memref<128xi32, #tpu.memory_space<vmem>>, vector<16xi32>,
        %add3A_164 = arith.constant 48 : i32
        %add3A_165 = arith.addi %mul3A_105, %add3A_164 : i32
        %get3A_166 = arith.index_cast %add3A_165 : i32 to index
        %get3A_167 = tpu.vector_load %arg8[%get3A_166] {strides = array<i32>} : memref<10128xi32, #tpu.memory_space<vmem>>, vector<16xi32>,
        %get3A_168 = arith.index_cast %add3A_165 : i32 to index
        %get3A_169 = tpu.vector_load %arg9[%get3A_168] {strides = array<i32>} : memref<10128xi32, #tpu.memory_space<vmem>>, vector<16xi32>,
        %add3A_170 = vector.broadcast %add3A_165 : i32 to vector<16xi32>
        %add3A_171 = arith.addi %add3A_170, %iota3A : vector<16xi32>
        %lt3A_172 = vector.broadcast %reduce_max3A_17 : i32 to vector<16xi32>
        %lt3A_173 = arith.cmpi slt, %add3A_171, %lt3A_172 : vector<16xi32>
        %jit3A_174 = arith.constant 0 : i32
        %broadcast_in_dim3A_175 = vector.broadcast %jit3A_174 : i32 to vector<16xi32>
        %select_n3A_176 = arith.select %lt3A_173, %get3A_167, %broadcast_in_dim3A_175 : vector<16xi1>, vector<16xi32>
        %swap3A_177 = arith.constant 48 : index
        %swap3A_178 = tpu.vector_load %arg10[%swap3A_177] {strides = array<i32>} : memref<128xi32, #tpu.memory_space<vmem>>, vector<16xi32>,
        tpu.vector_store %arg10[%swap3A_177], %select_n3A_176 {strides = array<i32>} : memref<128xi32, #tpu.memory_space<vmem>>, vector<16xi32>,
        %jit3A_179 = arith.constant 1000 : i32
        %broadcast_in_dim3A_180 = vector.broadcast %jit3A_179 : i32 to vector<16xi32>
        %select_n3A_181 = arith.select %lt3A_173, %get3A_169, %broadcast_in_dim3A_180 : vector<16xi1>, vector<16xi32>
        %swap3A_182 = arith.constant 48 : index
        %swap3A_183 = tpu.vector_load %arg12[%swap3A_182] {strides = array<i32>} : memref<128xi32, #tpu.memory_space<vmem>>, vector<16xi32>,
        tpu.vector_store %arg12[%swap3A_182], %select_n3A_181 {strides = array<i32>} : memref<128xi32, #tpu.memory_space<vmem>>, vector<16xi32>,
        %add3A_184 = arith.constant 64 : i32
        %add3A_185 = arith.addi %mul3A_105, %add3A_184 : i32
        %get3A_186 = arith.index_cast %add3A_185 : i32 to index
        %get3A_187 = tpu.vector_load %arg8[%get3A_186] {strides = array<i32>} : memref<10128xi32, #tpu.memory_space<vmem>>, vector<16xi32>,
        %get3A_188 = arith.index_cast %add3A_185 : i32 to index
        %get3A_189 = tpu.vector_load %arg9[%get3A_188] {strides = array<i32>} : memref<10128xi32, #tpu.memory_space<vmem>>, vector<16xi32>,
        %add3A_190 = vector.broadcast %add3A_185 : i32 to vector<16xi32>
        %add3A_191 = arith.addi %add3A_190, %iota3A : vector<16xi32>
        %lt3A_192 = vector.broadcast %reduce_max3A_17 : i32 to vector<16xi32>
        %lt3A_193 = arith.cmpi slt, %add3A_191, %lt3A_192 : vector<16xi32>
        %jit3A_194 = arith.constant 0 : i32
        %broadcast_in_dim3A_195 = vector.broadcast %jit3A_194 : i32 to vector<16xi32>
        %select_n3A_196 = arith.select %lt3A_193, %get3A_187, %broadcast_in_dim3A_195 : vector<16xi1>, vector<16xi32>
        %swap3A_197 = arith.constant 64 : index
        %swap3A_198 = tpu.vector_load %arg10[%swap3A_197] {strides = array<i32>} : memref<128xi32, #tpu.memory_space<vmem>>, vector<16xi32>,
        tpu.vector_store %arg10[%swap3A_197], %select_n3A_196 {strides = array<i32>} : memref<128xi32, #tpu.memory_space<vmem>>, vector<16xi32>,
        %jit3A_199 = arith.constant 1000 : i32
        %broadcast_in_dim3A_200 = vector.broadcast %jit3A_199 : i32 to vector<16xi32>
        %select_n3A_201 = arith.select %lt3A_193, %get3A_189, %broadcast_in_dim3A_200 : vector<16xi1>, vector<16xi32>
        %swap3A_202 = arith.constant 64 : index
        %swap3A_203 = tpu.vector_load %arg12[%swap3A_202] {strides = array<i32>} : memref<128xi32, #tpu.memory_space<vmem>>, vector<16xi32>,
        tpu.vector_store %arg12[%swap3A_202], %select_n3A_201 {strides = array<i32>} : memref<128xi32, #tpu.memory_space<vmem>>, vector<16xi32>,
        %add3A_204 = arith.constant 80 : i32
        %add3A_205 = arith.addi %mul3A_105, %add3A_204 : i32
        %get3A_206 = arith.index_cast %add3A_205 : i32 to index
        %get3A_207 = tpu.vector_load %arg8[%get3A_206] {strides = array<i32>} : memref<10128xi32, #tpu.memory_space<vmem>>, vector<16xi32>,
        %get3A_208 = arith.index_cast %add3A_205 : i32 to index
        %get3A_209 = tpu.vector_load %arg9[%get3A_208] {strides = array<i32>} : memref<10128xi32, #tpu.memory_space<vmem>>, vector<16xi32>,
        %add3A_210 = vector.broadcast %add3A_205 : i32 to vector<16xi32>
        %add3A_211 = arith.addi %add3A_210, %iota3A : vector<16xi32>
        %lt3A_212 = vector.broadcast %reduce_max3A_17 : i32 to vector<16xi32>
        %lt3A_213 = arith.cmpi slt, %add3A_211, %lt3A_212 : vector<16xi32>
        %jit3A_214 = arith.constant 0 : i32
        %broadcast_in_dim3A_215 = vector.broadcast %jit3A_214 : i32 to vector<16xi32>
        %select_n3A_216 = arith.select %lt3A_213, %get3A_207, %broadcast_in_dim3A_215 : vector<16xi1>, vector<16xi32>
        %swap3A_217 = arith.constant 80 : index
        %swap3A_218 = tpu.vector_load %arg10[%swap3A_217] {strides = array<i32>} : memref<128xi32, #tpu.memory_space<vmem>>, vector<16xi32>,
        tpu.vector_store %arg10[%swap3A_217], %select_n3A_216 {strides = array<i32>} : memref<128xi32, #tpu.memory_space<vmem>>, vector<16xi32>,
        %jit3A_219 = arith.constant 1000 : i32
        %broadcast_in_dim3A_220 = vector.broadcast %jit3A_219 : i32 to vector<16xi32>
        %select_n3A_221 = arith.select %lt3A_213, %get3A_209, %broadcast_in_dim3A_220 : vector<16xi1>, vector<16xi32>
        %swap3A_222 = arith.constant 80 : index
        %swap3A_223 = tpu.vector_load %arg12[%swap3A_222] {strides = array<i32>} : memref<128xi32, #tpu.memory_space<vmem>>, vector<16xi32>,
        tpu.vector_store %arg12[%swap3A_222], %select_n3A_221 {strides = array<i32>} : memref<128xi32, #tpu.memory_space<vmem>>, vector<16xi32>,
        %add3A_224 = arith.constant 96 : i32
        %add3A_225 = arith.addi %mul3A_105, %add3A_224 : i32
        %get3A_226 = arith.index_cast %add3A_225 : i32 to index
        %get3A_227 = tpu.vector_load %arg8[%get3A_226] {strides = array<i32>} : memref<10128xi32, #tpu.memory_space<vmem>>, vector<16xi32>,
        %get3A_228 = arith.index_cast %add3A_225 : i32 to index
        %get3A_229 = tpu.vector_load %arg9[%get3A_228] {strides = array<i32>} : memref<10128xi32, #tpu.memory_space<vmem>>, vector<16xi32>,
        %add3A_230 = vector.broadcast %add3A_225 : i32 to vector<16xi32>
        %add3A_231 = arith.addi %add3A_230, %iota3A : vector<16xi32>
        %lt3A_232 = vector.broadcast %reduce_max3A_17 : i32 to vector<16xi32>
        %lt3A_233 = arith.cmpi slt, %add3A_231, %lt3A_232 : vector<16xi32>
        %jit3A_234 = arith.constant 0 : i32
        %broadcast_in_dim3A_235 = vector.broadcast %jit3A_234 : i32 to vector<16xi32>
        %select_n3A_236 = arith.select %lt3A_233, %get3A_227, %broadcast_in_dim3A_235 : vector<16xi1>, vector<16xi32>
        %swap3A_237 = arith.constant 96 : index
        %swap3A_238 = tpu.vector_load %arg10[%swap3A_237] {strides = array<i32>} : memref<128xi32, #tpu.memory_space<vmem>>, vector<16xi32>,
        tpu.vector_store %arg10[%swap3A_237], %select_n3A_236 {strides = array<i32>} : memref<128xi32, #tpu.memory_space<vmem>>, vector<16xi32>,
        %jit3A_239 = arith.constant 1000 : i32
        %broadcast_in_dim3A_240 = vector.broadcast %jit3A_239 : i32 to vector<16xi32>
        %select_n3A_241 = arith.select %lt3A_233, %get3A_229, %broadcast_in_dim3A_240 : vector<16xi1>, vector<16xi32>
        %swap3A_242 = arith.constant 96 : index
        %swap3A_243 = tpu.vector_load %arg12[%swap3A_242] {strides = array<i32>} : memref<128xi32, #tpu.memory_space<vmem>>, vector<16xi32>,
        tpu.vector_store %arg12[%swap3A_242], %select_n3A_241 {strides = array<i32>} : memref<128xi32, #tpu.memory_space<vmem>>, vector<16xi32>,
        %add3A_244 = arith.constant 112 : i32
        %add3A_245 = arith.addi %mul3A_105, %add3A_244 : i32
        %get3A_246 = arith.index_cast %add3A_245 : i32 to index
        %get3A_247 = tpu.vector_load %arg8[%get3A_246] {strides = array<i32>} : memref<10128xi32, #tpu.memory_space<vmem>>, vector<16xi32>,
        %get3A_248 = arith.index_cast %add3A_245 : i32 to index
        %get3A_249 = tpu.vector_load %arg9[%get3A_248] {strides = array<i32>} : memref<10128xi32, #tpu.memory_space<vmem>>, vector<16xi32>,
        %add3A_250 = vector.broadcast %add3A_245 : i32 to vector<16xi32>
        %add3A_251 = arith.addi %add3A_250, %iota3A : vector<16xi32>
        %lt3A_252 = vector.broadcast %reduce_max3A_17 : i32 to vector<16xi32>
        %lt3A_253 = arith.cmpi slt, %add3A_251, %lt3A_252 : vector<16xi32>
        %jit3A_254 = arith.constant 0 : i32
        %broadcast_in_dim3A_255 = vector.broadcast %jit3A_254 : i32 to vector<16xi32>
        %select_n3A_256 = arith.select %lt3A_253, %get3A_247, %broadcast_in_dim3A_255 : vector<16xi1>, vector<16xi32>
        %swap3A_257 = arith.constant 112 : index
        %swap3A_258 = tpu.vector_load %arg10[%swap3A_257] {strides = array<i32>} : memref<128xi32, #tpu.memory_space<vmem>>, vector<16xi32>,
        tpu.vector_store %arg10[%swap3A_257], %select_n3A_256 {strides = array<i32>} : memref<128xi32, #tpu.memory_space<vmem>>, vector<16xi32>,
        %jit3A_259 = arith.constant 1000 : i32
        %broadcast_in_dim3A_260 = vector.broadcast %jit3A_259 : i32 to vector<16xi32>
        %select_n3A_261 = arith.select %lt3A_253, %get3A_249, %broadcast_in_dim3A_260 : vector<16xi1>, vector<16xi32>
        %swap3A_262 = arith.constant 112 : index
        %swap3A_263 = tpu.vector_load %arg12[%swap3A_262] {strides = array<i32>} : memref<128xi32, #tpu.memory_space<vmem>>, vector<16xi32>,
        tpu.vector_store %arg12[%swap3A_262], %select_n3A_261 {strides = array<i32>} : memref<128xi32, #tpu.memory_space<vmem>>, vector<16xi32>,
        %dma_start3A = arith.constant 0 : i32
        %dma_start3A_264 = arith.constant 0 : i32
        %dma_start3A_265 = tpu.memref_slice %arg2[%dma_start3A, %dma_start3A_264] : memref<10000x128xf32, #tpu.memory_space<hbm>> -> memref<10000x128xf32, #tpu.memory_space<hbm>>
        tpu.enqueue_indirect_dma source(%dma_start3A_265 : memref<10000x128xf32, #tpu.memory_space<hbm>>) target(%arg14 : memref<128x128xf32, #tpu.memory_space<vmem>>) offsets(%arg10 : memref<128xi32, #tpu.memory_space<vmem>>) semaphore(%arg17 : memref<!tpu.dma_semaphore, #tpu.memory_space<semaphore_mem>>)
      } else {
      }
      %add3A_95 = arith.constant 1 : i32
      %add3A_96 = arith.addi %mul3A_81, %add3A_95 : i32
      %lt3A_97 = arith.cmpi slt, %add3A_96, %select_n3A : i32
      %convert_element_type3A_98 = arith.extui %lt3A_97 : i1 to i32
      %cond3A_99 = arith.constant 0 : i32
      %cond3A_100 = arith.cmpi ne, %convert_element_type3A_98, %cond3A_99 : i32
      scf.if %cond3A_100 {
        %add3A_102 = arith.constant 1 : i32
        %add3A_103 = arith.addi %mul3A_81, %add3A_102 : i32
        %dma_wait3A_104 = arith.constant 0 : i32
        %dma_wait3A_105 = arith.constant 0 : i32
        %dma_wait3A_106 = tpu.memref_slice %arg2[%dma_wait3A_104, %dma_wait3A_105] : memref<10000x128xf32, #tpu.memory_space<hbm>> -> memref<10000x128xf32, #tpu.memory_space<hbm>>
        tpu.wait_indirect_dma semaphore(%arg18 : memref<!tpu.dma_semaphore, #tpu.memory_space<semaphore_mem>>) src(%dma_wait3A_106 : memref<10000x128xf32, #tpu.memory_space<hbm>>) dst(%arg15 : memref<128x128xf32, #tpu.memory_space<vmem>>)
        "tpu.region"() ({
          %run_scoped3A = tpu.sem_alloc : memref<!tpu.dma_semaphore, #tpu.memory_space<semaphore_mem>>
          %dma_start3A = arith.constant 0 : i32
          %dma_start3A_107 = arith.constant 0 : i32
          %dma_start3A_108 = tpu.memref_slice %arg16[%dma_start3A, %dma_start3A_107] : memref<1024x128xf32, #tpu.memory_space<vmem_shared>> -> memref<1024x128xf32, #tpu.memory_space<vmem_shared>>
          tpu.enqueue_indirect_dma source(%arg15 : memref<128x128xf32, #tpu.memory_space<vmem>>) target(%dma_start3A_108 : memref<1024x128xf32, #tpu.memory_space<vmem_shared>>) offsets(%arg13 : memref<128xi32, #tpu.memory_space<vmem>>) semaphore(%run_scoped3A : memref<!tpu.dma_semaphore, #tpu.memory_space<semaphore_mem>>) {add = true}
          %dma_wait3A_109 = arith.constant 0 : i32
          %dma_wait3A_110 = arith.constant 0 : i32
          %dma_wait3A_111 = tpu.memref_slice %arg16[%dma_wait3A_109, %dma_wait3A_110] : memref<1024x128xf32, #tpu.memory_space<vmem_shared>> -> memref<1024x128xf32, #tpu.memory_space<vmem_shared>>
          tpu.wait_indirect_dma semaphore(%run_scoped3A : memref<!tpu.dma_semaphore, #tpu.memory_space<semaphore_mem>>) src(%arg15 : memref<128x128xf32, #tpu.memory_space<vmem>>) dst(%dma_wait3A_111 : memref<1024x128xf32, #tpu.memory_space<vmem_shared>>)
          tpu.yield
        }) : () -> ()
      } else {
      }
      %while3A_101 = arith.constant 0 : i32
      scf.yield %while3A_101 : i32
    }
    %barrier3A_77 = arith.constant 0 : index
    tpu.barrier barrier_id(%barrier3A_77)
    "tpu.region"() ({
      %run_scoped3A = tpu.sem_alloc : memref<!tpu.dma_semaphore, #tpu.memory_space<semaphore_mem>>
      %dma_start3A = arith.constant 0 : i32
      %dma_start3A_78 = tpu.memref_slice %arg5[%arg0, %mul3A_4, %dma_start3A] : memref<2x1024x128xf32, #tpu.memory_space<hbm>> -> memref<1x64x128xf32, #tpu.memory_space<hbm>>
      %dma_start3A_79 = tpu.memref_squeeze %dma_start3A_78 : memref<1x64x128xf32, #tpu.memory_space<hbm>> -> memref<64x128xf32, #tpu.memory_space<hbm>>
      %dma_start3A_80 = arith.constant 0 : i32
      %dma_start3A_81 = tpu.memref_slice %arg16[%mul3A_4, %dma_start3A_80] : memref<1024x128xf32, #tpu.memory_space<vmem_shared>> -> memref<64x128xf32, #tpu.memory_space<vmem_shared>>
      tpu.enqueue_dma source(%dma_start3A_81 : memref<64x128xf32, #tpu.memory_space<vmem_shared>>) target(%dma_start3A_79 : memref<64x128xf32, #tpu.memory_space<hbm>>) target_semaphore(%run_scoped3A : memref<!tpu.dma_semaphore, #tpu.memory_space<semaphore_mem>>)
      %dma_wait3A = arith.constant 0 : i32
      %dma_wait3A_82 = tpu.memref_slice %arg5[%arg0, %mul3A_4, %dma_wait3A] : memref<2x1024x128xf32, #tpu.memory_space<hbm>> -> memref<1x64x128xf32, #tpu.memory_space<hbm>>
      %dma_wait3A_83 = tpu.memref_squeeze %dma_wait3A_82 : memref<1x64x128xf32, #tpu.memory_space<hbm>> -> memref<64x128xf32, #tpu.memory_space<hbm>>
      %dma_wait3A_84 = arith.constant 0 : i32
      %dma_wait3A_85 = tpu.memref_slice %arg16[%mul3A_4, %dma_wait3A_84] : memref<1024x128xf32, #tpu.memory_space<vmem_shared>> -> memref<64x128xf32, #tpu.memory_space<vmem_shared>>
      tpu.wait_dma2 semaphore(%run_scoped3A : memref<!tpu.dma_semaphore, #tpu.memory_space<semaphore_mem>>) src(%dma_wait3A_85 : memref<64x128xf32, #tpu.memory_space<vmem_shared>>) dst(%dma_wait3A_83 : memref<64x128xf32, #tpu.memory_space<hbm>>)
      tpu.yield
    }) : () -> ()
    return
  }
}

module attributes {stable_mosaic.version = 14 : i64} {
  func.func @_tc_head(%arg0: i32, %arg1: memref<1000x128xf32, #tpu.memory_space<vmem>>, %arg2: memref<2x1024x128xf32, #tpu.memory_space<vmem>>, %arg3: memref<1000x64xf32, #tpu.memory_space<vmem>>, %arg4: memref<256x128xf32, #tpu.memory_space<vmem>>, %arg5: memref<1x128xf32, #tpu.memory_space<vmem>>, %arg6: memref<192x256xf32, #tpu.memory_space<vmem>>, %arg7: memref<1x256xf32, #tpu.memory_space<vmem>>, %arg8: memref<1x256xf32, #tpu.memory_space<vmem>>, %arg9: memref<1x1xf32, #tpu.memory_space<vmem>>, %arg10: memref<1000x1xf32, #tpu.memory_space<vmem>>) attributes {dimension_semantics = [#tpu.dimension_semantics<arbitrary>], iteration_bounds = array<i64: 1>, scalar_prefetch = 0 : i64, scratch_operands = 0 : i64, tpu.core_type = #tpu.core_type<tc>, window_params = [{transform_indices = @transform_0, window_bounds = array<i64: 1000, 128>}, {pipeline_mode = #tpu.pipeline_mode<synchronous>, transform_indices = @transform_1, window_bounds = array<i64: 2, 1024, 128>}, {pipeline_mode = #tpu.pipeline_mode<synchronous>, transform_indices = @transform_2, window_bounds = array<i64: 1000, 64>}, {pipeline_mode = #tpu.pipeline_mode<synchronous>, transform_indices = @transform_3, window_bounds = array<i64: 256, 128>}, {pipeline_mode = #tpu.pipeline_mode<synchronous>, transform_indices = @transform_4, window_bounds = array<i64: 1, 128>}, {pipeline_mode = #tpu.pipeline_mode<synchronous>, transform_indices = @transform_5, window_bounds = array<i64: 192, 256>}, {pipeline_mode = #tpu.pipeline_mode<synchronous>, transform_indices = @transform_6, window_bounds = array<i64: 1, 256>}, {pipeline_mode = #tpu.pipeline_mode<synchronous>, transform_indices = @transform_7, window_bounds = array<i64: 1, 256>}, {pipeline_mode = #tpu.pipeline_mode<synchronous>, transform_indices = @transform_8, window_bounds = array<i64: 1, 1>}, {pipeline_mode = #tpu.pipeline_mode<synchronous>, transform_indices = @transform_9, window_bounds = array<i64: 1000, 1>}]} {
    %get3A = arith.constant 0 : index
    %get3A_0 = arith.constant 0 : index
    %get3A_1 = arith.constant 0 : index
    %get3A_2 = vector.load %arg2[%get3A, %get3A_0, %get3A_1] : memref<2x1024x128xf32, #tpu.memory_space<vmem>>, vector<1x1000x128xf32>
    %get3A_3 = vector.shape_cast %get3A_2 : vector<1x1000x128xf32> to vector<1000x128xf32>
    %get3A_4 = arith.constant 1 : index
    %get3A_5 = arith.constant 0 : index
    %get3A_6 = arith.constant 0 : index
    %get3A_7 = vector.load %arg2[%get3A_4, %get3A_5, %get3A_6] : memref<2x1024x128xf32, #tpu.memory_space<vmem>>, vector<1x1000x128xf32>
    %get3A_8 = vector.shape_cast %get3A_7 : vector<1x1000x128xf32> to vector<1000x128xf32>
    %add3A = arith.addf %get3A_3, %get3A_8 : vector<1000x128xf32>
    %get3A_9 = arith.constant 0 : index
    %get3A_10 = arith.constant 0 : index
    %get3A_11 = vector.load %arg1[%get3A_9, %get3A_10] : memref<1000x128xf32, #tpu.memory_space<vmem>>, vector<1000x128xf32>
    %get3A_12 = arith.constant 0 : index
    %get3A_13 = arith.constant 0 : index
    %get3A_14 = vector.load %arg4[%get3A_12, %get3A_13] : memref<256x128xf32, #tpu.memory_space<vmem>>, vector<128x128xf32>
    %dot_general3A = arith.constant dense<0.000000e+00> : vector<1000x128xf32>
    %dot_general3A_15 = tpu.matmul %get3A_11, %get3A_14, %dot_general3A {dimension_numbers = #tpu.dot_dimension_numbers<[1], [0], [0], [1], [0, 0, 1, 1], [], []>, transpose_lhs_hint = false} : vector<1000x128xf32>, vector<128x128xf32>, vector<1000x128xf32> -> vector<1000x128xf32>
    %get3A_16 = arith.constant 128 : index
    %get3A_17 = arith.constant 0 : index
    %get3A_18 = vector.load %arg4[%get3A_16, %get3A_17] : memref<256x128xf32, #tpu.memory_space<vmem>>, vector<128x128xf32>
    %dot_general3A_19 = arith.constant dense<0.000000e+00> : vector<1000x128xf32>
    %dot_general3A_20 = tpu.matmul %add3A, %get3A_18, %dot_general3A_19 {dimension_numbers = #tpu.dot_dimension_numbers<[1], [0], [0], [1], [0, 0, 1, 1], [], []>, transpose_lhs_hint = false} : vector<1000x128xf32>, vector<128x128xf32>, vector<1000x128xf32> -> vector<1000x128xf32>
    %add3A_21 = arith.addf %dot_general3A_15, %dot_general3A_20 : vector<1000x128xf32>
    %get3A_22 = arith.constant 0 : index
    %get3A_23 = arith.constant 0 : index
    %get3A_24 = vector.load %arg5[%get3A_22, %get3A_23] : memref<1x128xf32, #tpu.memory_space<vmem>>, vector<1x128xf32>
    %add3A_25 = vector.broadcast %get3A_24 : vector<1x128xf32> to vector<1000x128xf32>
    %add3A_26 = arith.addf %add3A_21, %add3A_25 : vector<1000x128xf32>
    %max3A = arith.constant 0.000000e+00 : f32
    %max3A_27 = vector.broadcast %max3A : f32 to vector<1000x128xf32>
    %max3A_28 = arith.maximumf %add3A_26, %max3A_27 : vector<1000x128xf32>
    %get3A_29 = arith.constant 0 : index
    %get3A_30 = arith.constant 0 : index
    %get3A_31 = vector.load %arg6[%get3A_29, %get3A_30] : memref<192x256xf32, #tpu.memory_space<vmem>>, vector<128x256xf32>
    %dot_general3A_32 = arith.constant dense<0.000000e+00> : vector<1000x256xf32>
    %dot_general3A_33 = tpu.matmul %max3A_28, %get3A_31, %dot_general3A_32 {dimension_numbers = #tpu.dot_dimension_numbers<[1], [0], [0], [1], [0, 0, 1, 1], [], []>, transpose_lhs_hint = false} : vector<1000x128xf32>, vector<128x256xf32>, vector<1000x256xf32> -> vector<1000x256xf32>
    %get3A_34 = arith.constant 0 : index
    %get3A_35 = arith.constant 0 : index
    %get3A_36 = vector.load %arg3[%get3A_34, %get3A_35] : memref<1000x64xf32, #tpu.memory_space<vmem>>, vector<1000x64xf32>
    %get3A_37 = arith.constant 128 : index
    %get3A_38 = arith.constant 0 : index
    %get3A_39 = vector.load %arg6[%get3A_37, %get3A_38] : memref<192x256xf32, #tpu.memory_space<vmem>>, vector<64x256xf32>
    %dot_general3A_40 = arith.constant dense<0.000000e+00> : vector<1000x256xf32>
    %dot_general3A_41 = tpu.matmul %get3A_36, %get3A_39, %dot_general3A_40 {dimension_numbers = #tpu.dot_dimension_numbers<[1], [0], [0], [1], [0, 0, 1, 1], [], []>, transpose_lhs_hint = false} : vector<1000x64xf32>, vector<64x256xf32>, vector<1000x256xf32> -> vector<1000x256xf32>
    %add3A_42 = arith.addf %dot_general3A_33, %dot_general3A_41 : vector<1000x256xf32>
    %get3A_43 = arith.constant 0 : index
    %get3A_44 = arith.constant 0 : index
    %get3A_45 = vector.load %arg7[%get3A_43, %get3A_44] : memref<1x256xf32, #tpu.memory_space<vmem>>, vector<1x256xf32>
    %add3A_46 = vector.broadcast %get3A_45 : vector<1x256xf32> to vector<1000x256xf32>
    %add3A_47 = arith.addf %add3A_42, %add3A_46 : vector<1000x256xf32>
    %max3A_48 = arith.constant 0.000000e+00 : f32
    %max3A_49 = vector.broadcast %max3A_48 : f32 to vector<1000x256xf32>
    %max3A_50 = arith.maximumf %add3A_47, %max3A_49 : vector<1000x256xf32>
    %get3A_51 = arith.constant 0 : index
    %get3A_52 = arith.constant 0 : index
    %get3A_53 = vector.load %arg8[%get3A_51, %get3A_52] : memref<1x256xf32, #tpu.memory_space<vmem>>, vector<1x256xf32>
    %mul3A = vector.broadcast %get3A_53 : vector<1x256xf32> to vector<1000x256xf32>
    %mul3A_54 = arith.mulf %max3A_50, %mul3A : vector<1000x256xf32>
    %reduce_sum3A = arith.constant dense<0.000000e+00> : vector<1000xf32>
    %reduce_sum3A_55 = vector.multi_reduction <add>, %mul3A_54, %reduce_sum3A [1] : vector<1000x256xf32> to vector<1000xf32>
    %broadcast_in_dim3A = vector.shape_cast %reduce_sum3A_55 : vector<1000xf32> to vector<1000x1xf32>
    %get3A_56 = arith.constant 0 : index
    %get3A_57 = arith.constant 0 : index
    %get3A_58 = vector.load %arg9[%get3A_56, %get3A_57] : memref<1x1xf32, #tpu.memory_space<vmem>>, vector<1x1xf32>
    %add3A_59 = vector.broadcast %get3A_58 : vector<1x1xf32> to vector<1000x1xf32>
    %add3A_60 = arith.addf %broadcast_in_dim3A, %add3A_59 : vector<1000x1xf32>
    %swap3A = arith.constant 0 : index
    %swap3A_61 = arith.constant 0 : index
    %swap3A_62 = vector.load %arg10[%swap3A, %swap3A_61] : memref<1000x1xf32, #tpu.memory_space<vmem>>, vector<1000x1xf32>
    tpu.vector_store %arg10[%swap3A, %swap3A_61], %add3A_60 {strides = array<i32>} : memref<1000x1xf32, #tpu.memory_space<vmem>>, vector<1000x1xf32>,
    return
  }
  func.func @transform_0(%arg0: i32) -> (i32, i32) {
    %c0_i32 = arith.constant 0 : i32
    %c0_i32_0 = arith.constant 0 : i32
    %c0_i32_1 = arith.constant 0 : i32
    return %c0_i32, %c0_i32_0 : i32, i32
  }
  func.func @transform_1(%arg0: i32) -> (i32, i32, i32) {
    %c0_i32 = arith.constant 0 : i32
    %c0_i32_0 = arith.constant 0 : i32
    %c0_i32_1 = arith.constant 0 : i32
    %c0_i32_2 = arith.constant 0 : i32
    return %c0_i32, %c0_i32_0, %c0_i32_1 : i32, i32, i32
  }
  func.func @transform_2(%arg0: i32) -> (i32, i32) {
    %c0_i32 = arith.constant 0 : i32
    %c0_i32_0 = arith.constant 0 : i32
    %c0_i32_1 = arith.constant 0 : i32
    return %c0_i32, %c0_i32_0 : i32, i32
  }
  func.func @transform_3(%arg0: i32) -> (i32, i32) {
    %c0_i32 = arith.constant 0 : i32
    %c0_i32_0 = arith.constant 0 : i32
    %c0_i32_1 = arith.constant 0 : i32
    return %c0_i32, %c0_i32_0 : i32, i32
  }
  func.func @transform_4(%arg0: i32) -> (i32, i32) {
    %c0_i32 = arith.constant 0 : i32
    %c0_i32_0 = arith.constant 0 : i32
    %c0_i32_1 = arith.constant 0 : i32
    return %c0_i32, %c0_i32_0 : i32, i32
  }
  func.func @transform_5(%arg0: i32) -> (i32, i32) {
    %c0_i32 = arith.constant 0 : i32
    %c0_i32_0 = arith.constant 0 : i32
    %c0_i32_1 = arith.constant 0 : i32
    return %c0_i32, %c0_i32_0 : i32, i32
  }
  func.func @transform_6(%arg0: i32) -> (i32, i32) {
    %c0_i32 = arith.constant 0 : i32
    %c0_i32_0 = arith.constant 0 : i32
    %c0_i32_1 = arith.constant 0 : i32
    return %c0_i32, %c0_i32_0 : i32, i32
  }
  func.func @transform_7(%arg0: i32) -> (i32, i32) {
    %c0_i32 = arith.constant 0 : i32
    %c0_i32_0 = arith.constant 0 : i32
    %c0_i32_1 = arith.constant 0 : i32
    return %c0_i32, %c0_i32_0 : i32, i32
  }
  func.func @transform_8(%arg0: i32) -> (i32, i32) {
    %c0_i32 = arith.constant 0 : i32
    %c0_i32_0 = arith.constant 0 : i32
    %c0_i32_1 = arith.constant 0 : i32
    return %c0_i32, %c0_i32_0 : i32, i32
  }
  func.func @transform_9(%arg0: i32) -> (i32, i32) {
    %c0_i32 = arith.constant 0 : i32
    %c0_i32_0 = arith.constant 0 : i32
    %c0_i32_1 = arith.constant 0 : i32
    return %c0_i32, %c0_i32_0 : i32, i32
  }
}

</mosaic_0001>

<sc_bundles>
// kernel: kernel.4.cloned.1.call-start
scs
__scs_entry_jumppad:
0x0: {  	(pc) =	sbr.rel $0x88, $3  }
0x1: {  	(tag) =	ssettag $0x0;
	lr =	simm.s32 $0x1  }
0x2: {  	[smem:$0x3F98] =	sst lr;
	_ =	strace $0xD0000000  }
0x3: {  	_ = 	snop  }
0x4: {  	_ = 	snop  }
0x5: {  	_ = 	snop  }
0x6: {  	_ = 	snop  }
0x7: {  	_ = 	snop  }
__scs_overlays_trampoline_lowered:
0x8: {  	[smem:$0x3FA7] =	sst s0  }
0x9: {  	[smem:$0x3FA8] =	sst s1  }
0xa: {  	[smem:$0x3FA9] =	sst s2  }
0xb: {  	[smem:$0x3FAA] =	sst s3  }
0xc: {  	[smem:$0x3FAB] =	sst s4  }
0xd: {  	[smem:$0x3FAC] =	sst s5  }
0xe: {  	[smem:$0x3FAD] =	sst s6  }
0xf: {  	[smem:$0x3FAE] =	sst s7  }
0x10: {  	[smem:$0x3FAF] =	sst s8  }
0x11: {  	[smem:$0x3FB0] =	sst s9;
	s0 =	simm.s32 @!p0 $0x0  }
0x12: {  	s1 =	sld [smem:$0x3F96];
	s0 =	simm.s32 @p0 $0x1  }
0x13: {  	[smem:$0x3FB1] =	sst s0;
	s0 =	simm.s32 @!p1 $0x0  }
0x14: {  	s2 =	sld [smem:$0x3F95];
	s0 =	simm.s32 @p1 $0x1  }
0x15: {  	[smem:$0x3FB2] =	sst s0;
	s0 =	simm.s32 @!p2 $0x0  }
0x16: {  	s3 =	sld [smem:$0x3FDB];
	s0 =	simm.s32 @p2 $0x1  }
0x17: {  	s4 =	simm.s32 $0x1BF5;
	[smem:$0x3FB4] =	sst s0  }
0x18: {  	s0 =	sld [smem:$0x3F97];
	_ =	swait.ge [sflag:s4], $0x0  }
0x19: {  	s7 =	sld [smem:$0x3F98]  }
0x1a: {  	s8 =	sadd.s32 $0xFFFFE003, lr  }
0x1b: {  	s9 =	sadd.s32 $0xFFFFFEF7, lr;
	s5 =	simm.s32 $0xFFFFFFFF;
	p2 =	slt.u32 s8, $0xFFFFF086  }
0x1c: {  	p1 =	slt.u32 s9, $0xF7A;
	s5 =	simm.s32 @!p2 $0x0  }
0x1d: {  	s5 =	simm.s32 @p1 $0x1;
	p0 =	seq.s32 s7, s2  }
0x1e: {  	s7 =	smul.u32 @!p0 $0xF7A, s2;
	p2 =	seq.s32 @!p0 s5, $0x0  }
0x1f: {  	s9 =	smul.u32 $0xF7A, s1;
	s8 =	simm.s32 @!p0 $0x1BF5;
	p2 =	por !p2, p0  }
0x20: {  	[sflag:s8] =	ssyncset.s32 @!p0 $0xFFFFF086;
	s6 =	sadd.s32 @!p0 s3, s7;
	s7 =	simm.s32 @!p0 $0x108  }
0x21: {  	s3 =	sadd.s32 s3, s9;
	s6 =	sadd.s32 @!p0 $0x88, s6;
	s7 =	simm.s32 @p2 $0x1082  }
0x22: {  	[simem:s7], [sflag:s8] =	dma.local @!p0 [hbm:s6], $0xF7A  }
0x23: {  	s9 =	sor.u32 $0xD0000000, s2;
	s6 =	simm.s32 $0x108;
	_ =	swait.ge @!p0 [sflag:s8], $0x0  }
0x24: {  	s3 =	sadd.s32 $0x88, s3;
	s6 =	simm.s32 @!p1 $0x1082;
	[sflag:s4] =	ssyncset.s32 $0xFFFFF086  }
0x25: {  	[simem:s6], [sflag:s4] =	dma.local [hbm:s3], $0xF7A  }
0x26: {  	[smem:$0x3F98] =	sst s1;
	(tag) =	ssettag s2;
	_ =	strace s9  }
0x27: {  	s1 =	sld [smem:$0x3FA8]  }
0x28: {  	s2 =	sld [smem:$0x3FA9]  }
0x29: {  	s4 =	sld [smem:$0x3FAB]  }
0x2a: {  	p0 =	seq.s32 s5, $0x0;
	s5 =	sld [smem:$0x3FAC]  }
0x2b: {  	s6 =	sld [smem:$0x3FAD]  }
0x2c: {  	s7 =	sld [smem:$0x3FAE]  }
0x2d: {  	s3 =	simm.s32 $0x108;
	s8 =	sld [smem:$0x3FAF]  }
0x2e: {  	s3 =	simm.s32 @!p0 $0x1082;
	s9 =	sld [smem:$0x3FB0]  }
0x2f: {  	lr =	sadd.s32 s0, s3;
	s0 =	sld [smem:$0x3FA7]  }
0x30: {  	s3 =	sld [smem:$0x3FAA]  }
0x31: {  	[smem:$0x3FB3] =	sst s10  }
0x32: {  	s10 =	sld [smem:$0x3FB1];
	_ =	sdelay $0x3  }
0x33: {  	p0 =	seq.s32 s10, $0x1;
	s10 =	sld [smem:$0x3FB3];
	_ =	sdelay $0x3  }
0x34: {  	[smem:$0x3FB3] =	sst s10  }
0x35: {  	s10 =	sld [smem:$0x3FB2];
	_ =	sdelay $0x3  }
0x36: {  	p1 =	seq.s32 s10, $0x1;
	s10 =	sld [smem:$0x3FB3];
	_ =	sdelay $0x3  }
0x37: {  	[smem:$0x3FB3] =	sst s10  }
0x38: {  	s10 =	sld [smem:$0x3FB4]  }
0x39: {  	_ = 	snop;
	(pc) =	sbr.ind lr, $3  }
0x3a: {  	_ = 	snop  }
0x3b: {  	_ = 	snop  }
0x3c: {  	p2 =	seq.s32 s10, $0x1;
	s10 =	sld [smem:$0x3FB3]  }
0x3d: {  	_ =	shalt  }
0x3e: {  	_ =	shalt  }
0x3f: {  	_ =	shalt  }
0x40: {  	_ =	shalt  }
0x41: {  	_ =	shalt  }
0x42: {  	_ =	shalt  }
0x43: {  	_ =	shalt  }
0x44: {  	_ =	shalt  }
0x45: {  	_ =	shalt  }
0x46: {  	_ =	shalt  }
0x47: {  	_ =	shalt  }
0x48: {  	_ =	shalt  }
0x49: {  	_ =	shalt  }
0x4a: {  	_ =	shalt  }
0x4b: {  	_ =	shalt  }
0x4c: {  	_ =	shalt  }
0x4d: {  	_ =	shalt  }
0x4e: {  	_ =	shalt  }
0x4f: {  	_ =	shalt  }
0x50: {  	_ =	shalt  }
0x51: {  	_ =	shalt  }
0x52: {  	_ =	shalt  }
0x53: {  	_ =	shalt  }
0x54: {  	_ =	shalt  }
0x55: {  	_ =	shalt  }
0x56: {  	_ =	shalt  }
0x57: {  	_ =	shalt  }
0x58: {  	_ =	shalt  }
0x59: {  	_ =	shalt  }
0x5a: {  	_ =	shalt  }
0x5b: {  	_ =	shalt  }
0x5c: {  	_ =	shalt  }
0x5d: {  	_ =	shalt  }
0x5e: {  	_ =	shalt  }
0x5f: {  	_ =	shalt  }
0x60: {  	_ =	shalt  }
0x61: {  	_ =	shalt  }
0x62: {  	_ =	shalt  }
0x63: {  	_ =	shalt  }
0x64: {  	_ =	shalt  }
0x65: {  	_ =	shalt  }
0x66: {  	_ =	shalt  }
0x67: {  	_ =	shalt  }
0x68: {  	_ =	shalt  }
0x69: {  	_ =	shalt  }
0x6a: {  	_ =	shalt  }
0x6b: {  	_ =	shalt  }
0x6c: {  	_ =	shalt  }
0x6d: {  	_ =	shalt  }
0x6e: {  	_ =	shalt  }
0x6f: {  	_ =	shalt  }
0x70: {  	_ =	shalt  }
0x71: {  	_ =	shalt  }
0x72: {  	_ =	shalt  }
0x73: {  	_ =	shalt  }
0x74: {  	_ =	shalt  }
0x75: {  	_ =	shalt  }
0x76: {  	_ =	shalt  }
0x77: {  	_ =	shalt  }
0x78: {  	_ =	shalt  }
0x79: {  	_ =	shalt  }
0x7a: {  	_ =	shalt  }
0x7b: {  	_ =	shalt  }
0x7c: {  	_ =	shalt  }
0x7d: {  	_ =	shalt  }
0x7e: {  	_ =	shalt  }
0x7f: {  	_ =	shalt  }
0x80: {  	_ =	shalt  }
0x81: {  	_ =	shalt  }
0x82: {  	_ =	shalt  }
0x83: {  	_ =	shalt  }
0x84: {  	_ =	shalt  }
0x85: {  	_ =	shalt  }
0x86: {  	_ =	shalt  }
0x87: {  	_ =	shalt  }
.Lfunc_end0:
.L_simem_size_0:
called_computation_lowered:
.L_overlay_start_0:
0x88: {  	s2 =	sld [smem:$0x3FD9]  }
0x89: {  	s3 =	sld [smem:$0x3FFE];
	_ =	sdelay $0x1  }
0x8a: {  	s1 =	srdreg.scid  }
0x8b: {  	s0 =	sand.u32 $0x1, s1  }
0x8c: {  	s17 =	sshll.u32 s0, $0xA;
	s2 =	sadd.s32 s3, s2  }
0x8d: {  	s2 =	sadd.s32 s2, s17  }
0x8e: {  	[smem:$0x3FBF] =	sst s2  }
0x8f: {  	_ = 	snop  }
0x90: {  	s2 =	sld [smem:$0x3FC9];
	(tm) =	ssettm $0x1  }
0x91: {  	s18 =	sld [smem:$0x3FFB];
	_ =	sdelay $0x3  }
0x92: {  	_ =	strace s18  }
0x93: {  	s3 =	sld [smem:$0x3FFC];
	_ =	sdelay $0x3  }
0x94: {  	_ =	strace s3  }
0x95: {  	s3 =	sld [smem:$0x3FFD];
	_ =	sdelay $0x3  }
0x96: {  	_ =	strace s3  }
0x97: {  	_ =	strace $0x8FFFFFFF  }
0x98: {  	s19 =	sld [smem:$0x3FDB];
	_ =	sdelay $0x1  }
0x99: {  	s4 =	simm.s32 $_scs_section_size  }
0x9a: {  	s5 =	simm.s32 $_size__tile_overlayer_lowered;
	s6 =	simm.s32 $_tile_overlayer_lowered  }
0x9b: {  	s22 =	simm.s32 $0x1BFF;
	s21 =	sshll.u32 s6, $0x1;
	s3 =	sadd.s32 s4, s19  }
0x9c: {  	s7 =	simm.s32 $0x0;
	s20 =	sshll.u32 s5, $0x1;
	s5 =	sadd.s32 s21, s3  }
0x9d: {  	[timem:s7], [sflag:s22] =	dma.local [hbm:s5], s20  }
0x9e: {  	_ =	swait.ge [sflag:s22], s20  }
0x9f: {  	s4 =	ssub.s32 $0x0, s20;
	[sflag:s22] =	ssyncset.done $0x0  }
0xa0: {  	[sflag:s22] =	ssyncadd.s32 s4;
	_ =	sdelay $0x1  }
0xa1: {  	s23 =	simm.s32 $0x1B8B  }
0xa2: {  	_ =	swait.ge [sflag:s23], $0x1  }
0xa3: {  	[sflag:s23] =	ssyncset.done $0x0  }
0xa4: {  	s25 =	simm.s32 $0x1B8E;
	s24 =	sld [smem:$0x3FFE];
	[sflag:s23] =	ssyncadd.s32 $0xFFFFFFFF  }
0xa5: {  	s26 =	simm.s32 $execute0_lowered;
	[smem:$0x3FD2] =	sst s25  }
0xa6: {  	s5 =	sshll.u32 s26, $0x1;
	_ =	strace $0x80000046;
	[dreg:$0x1] =	wrdreg $0xFFFFFFFF  }
0xa7: {  	s28 =	simm.s32 $_size_execute0_lowered;
	s3 =	sadd.s32 s3, s5;
	[dreg:$0x0] =	wrdreg $0x0  }
0xa8: {  	s5 =	sshll.u32 s28, $0x1;
	[dreg:$0x2] =	wrdreg s3  }
0xa9: {  	[dreg:$0x3] =	wrdreg s5  }
0xaa: {  	[dreg:$0x4] =	wrdreg $0xC0  }
0xab: {  	_ =	task [dreg:s7], $0x5FFFF  }
0xac: {  	[dreg:$0x1] =	wrdreg $0xFFFFFFFF  }
0xad: {  	[dreg:$0x0] =	wrdreg $0x60  }
0xae: {  	[dreg:$0x2] =	wrdreg s2  }
0xaf: {  	[dreg:$0x3] =	wrdreg s24  }
0xb0: {  	[dreg:$0x4] =	wrdreg $0x121000  }
0xb1: {  	[dreg:$0x5] =	wrdreg $0x9  }
0xb2: {  	_ =	task.clear_ibuf [dreg:s7], $0x6FFFF;
	_ =	strace $0x90000046  }
0xb3: {  	s29 =	simm.s32 $0x9;
	_ =	strace $0x80000048  }
0xb4: {  	_ =	swait.ge [sflag:s29], $0x1  }
0xb5: {  	[sflag:s29] =	ssyncadd.s32 $0xFFFFFFFF  }
0xb6: {  	_ =	strace $0x90000048  }
0xb7: {  	_ =	sfence  }
0xb8: {  	s30 =	sld [smem:$0x0];
	_ =	sdelay $0x2  }
0xb9: {  	s31 =	sshll.u32 s1, $0xD;
	s1 =	sshrl.u32 s1, $0x2  }
0xba: {  	s3 =	sand.u32 $0x4000, s31;
	s1 =	sadd.s32 s1, s30  }
0xbb: {  	s0 =	sor.u32 s3, s0;
	s1 =	sshll.u32 s1, $0x11  }
0xbc: {  	s0 =	sor.u32 s1, s0  }
0xbd: {  	s0 =	sadd.s32 $0x8F2B, s0  }
0xbe: {  	[sflag:s0] =	ssyncadd.remote.s32 $0x1  }
0xbf: {  	_ =	sfence.sel $0xFFFF  }
0xc0: {  	[dreg:$0x0] =	wrdreg $0xFFFFFFFF;
	(pc) =	sbr.abs _section_cstart, $3  }
0xc1: {  	[dreg:$0x1] =	wrdreg $0xFFFFFFFF  }
0xc2: {  	_ =	task.clear_ibuf [dreg:s7], $0x2FFFF;
	_ =	strace $0x9FFFFFFF  }
0xc3: {  	(tm) =	ssettm $0x7FFFFFFF  }
tec
execute0_lowered:
.L_overlay_start_1:
0x0: {  	(tag) =	ssettag $0x1  }
0x1: {  	s1 =	rddreg [dreg:$0x0]  }
0x2: {  	s2 =	srdreg.scid;
	s5 =	rddreg [dreg:$0x1]  }
0x3: {  	s0 =	stileid.u32;
	s3 =	rddreg [dreg:$0x2]  }
0x4: {  	s4 =	simm.s32 $0x0;
	s14 =	simm.s32 $0x4F00;
	s15 =	simm.s32 $0x7700  }
0x5: {  	s16 =	simm.s32 $0x1;
	s17 =	simm.s32 $0x80;
	s18 =	simm.s32 $0x9F00  }
0x6: {  	s19 =	simm.s32 $0xA100;
	s20 =	simm.s32 $0x9F80;
	s21 =	simm.s32 $0xE100  }
0x7: {  	s22 =	simm.s32 $0xA000;
	s23 =	simm.s32 $0x4;
	s24 =	simm.s32 $0x0  }
0x8: {  	s6 =	sand.u32 $0x1, s2;
	s28 =	sshll.u32 s0, $0x1;
	[smem:$0x7FF] =	sst s4  }
0x9: {  	s29 =	sshll.u32 s0, $0xA;
	s30 =	sshll.u32 s0, $0xD;
	s31 =	sshll.u32 s0, $0x6  }
0xa: {  	s7 =	sor.u32 s6, s28;
	_ =	strace $0x80000047;
	s8 =	ssub.s32 $0x2, s6  }
0xb: {  	s11 =	sadd.s32 s30, s3;
	s12 =	sshll.u32 s6, $0xE;
	s7 =	smul.u32 $0x2710, s7  }
.Ltmp0:
0xc: {  	s6 =	sor.u32 $0x1C03, s31;
	s10 =	sshrl.u32 s8, $0x1;
	(pc) =	sbr.rel .LBB2_1-.Ltmp0, $4  }
0xd: {  	v0 =	vlaneseq.u32;
	s11 =	sshrl.u32 s11, $0x3;
	s10 =	ssub.s32 s8, s10;
	s7 =	sshrl.u32 s7, $0x3  }
0xe: {  	v1 =	vimm.s32 $0x0;
	v2 =	vor.u32 $0x2780, v0;
	v3 =	vor.u32 $0x10, v0;
	s10 =	smax.u32 s10, $0x1;
	s9 =	sadd.s32 s7, s5;
	s7 =	sadd.s32 s29, s5  }
0xf: {  	v4 =	vor.u32 $0x20, v0;
	v5 =	vor.u32 $0x30, v0;
	v6 =	vor.u32 $0x40, v0;
	s5 =	sadd.s32 $0x15400, s7;
	s12 =	sadd.s32 s12, s7;
	s7 =	sadd.s32 $0x1A00, s9  }
0x10: {  	v7 =	vor.u32 $0x50, v0;
	v8 =	vor.u32 $0x60, v0;
	v9 =	vor.u32 $0x70, v0;
	s8 =	sadd.s32 $0xB640, s9;
	s9 =	sadd.s32 $0x19400, s12;
	s12 =	simm.s32 $0x3  }
.LBB2_10:
0x11: {  	s24 =	sadd.s32 $0x1, s24  }
0x12: {  	p0 =	sne.s32 s24, s10  }
.Ltmp1:
0x13: {  	[bflag:$0x0] =	sbarrier.arrive $0xFFFF;
	(pc) =	sbr.rel @!p0 .LBB2_11-.Ltmp1, $4  }
0x14: {  	[hbm:s9], [sflag:s6] =	dma.local [spmem:s11], $0x400  }
0x15: {  	_ =	swait.ge [sflag:s12], $0x400  }
0x16: {  	[sflag:s12] =	ssyncset.done $0x0  }
0x17: {  	[sflag:s12] =	ssyncadd.s32 $0xFFFFFC00  }
.LBB2_1:
0x18: {  	[spmem:s11], [sflag:s6] =	dma.local [hbm:s5], $0x400  }
0x19: {  	_ =	swait.ge [sflag:s12], $0x400  }
0x1a: {  	[sflag:s12] =	ssyncset.done $0x0  }
0x1b: {  	[sflag:s12] =	ssyncadd.s32 $0xFFFFFC00  }
0x1c: {  	[tilespmem:s4], [sflag:$0x3] =	stream.linear.gather [hbm4b:s7+s4], $0x2710, $0x38;
	[tilespmem:$0x14100] =	vst v63  }
0x1d: {  	_ =	swait.ge [sflag:s12], $0x2710  }
0x1e: {  	[sflag:s12] =	ssyncset.done $0x0  }
0x1f: {  	s0 =	simm.s32 $0x2780;
	[sflag:s12] =	ssyncadd.s32 $0xFFFFD8F0  }
0x20: {  	[tilespmem:s0], [sflag:$0x3] =	stream.linear.gather [hbm4b:s8+s4], $0x2710, $0x38;
	[tilespmem:$0x14100] =	vst v63  }
0x21: {  	_ =	swait.ge [sflag:s12], $0x2710  }
0x22: {  	[sflag:s12] =	ssyncset.done $0x0  }
0x23: {  	[sflag:s12] =	ssyncadd.s32 $0xFFFFD8F0  }
0x24: {  	s25 =	simm.s32 $0x27C0;
	[bflag:$0x0] =	sbarrier.arrive $0xFFFF  }
0x25: {  	v16 =	vld [tilespmem:s25+$0xFFFFFFC0]  }
0x26: {  	v20 =	vld [tilespmem:s25+$0xFFFFFFD0]  }
0x27: {  	v23 =	vld [tilespmem:s25+$0xFFFFFFE0]  }
0x28: {  	v25 =	vld [tilespmem:s25+$0xFFFFFFF0]  }
0x29: {  	v33 =	vld [tilespmem:s25+$0x0];
	_ =	sdelay $0x1  }
0x2a: {  	v11 =	vld [tilespmem:s25+$0x10]  }
0x2b: {  	vm6 =	vlt.s32 v16, $0x3E8;
	vm0 =	vlt.s32 v20, $0x3E8  }
0x2c: {  	vm5 =	vlt.s32 v23, $0x3E8;
	vm4 =	vlt.s32 v25, $0x3E8;
	v13 =	vmpcnt.ones.xlane vm6  }
0x2d: {  	v10 =	vld [tilespmem:s25+$0x20];
	vm3 =	vlt.s32 v33, $0x3E8;
	v12 =	vsel vm6, $0x1, v1;
	v15 =	vmpcnt.ones.xlane vm0  }
0x2e: {  	v14 =	vsel vm0, $0x1, v1;
	v17 =	vmpcnt.ones.xlane vm5;
	(xrf0) =	vadd.scan.msk.s32 $0xffff, v12;
	v12 =	vld [tilespmem:s25+$0x30];
	v13 =	vadd.s32 v1, v13  }
0x2f: {  	vm2 =	vlt.s32 v11, $0x3E8;
	(xrf0) =	vadd.scan.msk.s32 $0xffff, v14;
	v14 =	vadd.s32 v13, v15;
	v15 =	vmpcnt.ones.xlane vm4  }
0x30: {  	v18 =	vsel vm5, $0x1, v1;
	v19 =	vadd.s32 v14, v17;
	v17 =	vmpcnt.ones.xlane vm3  }
0x31: {  	(xrf0) =	vadd.scan.msk.s32 $0xffff, v18;
	v18 =	vmpcnt.ones.xlane vm2;
	v21 =	vadd.s32 v19, v15;
	v15 =	vsel vm4, $0x1, v1  }
0x32: {  	vm1 =	vlt.s32 v10, $0x3E8;
	(xrf0) =	vadd.scan.msk.s32 $0xffff, v15  }
0x33: {  	v22 =	vsel vm3, $0x1, v1;
	v15 =	vmpcnt.ones.xlane vm1;
	vm7 =	vlt.s32 v12, $0x3E8  }
0x34: {  	v26 =	vsel vm2, $0x1, v1;
	s25 =	simm.s32 $0x40;
	v24 =	vadd.s32 v21, v17;
	v28 =	vsel vm7, $0x1, v1;
	v17, _, _ =	vpop (xrf0);
	(xrf0) =	vadd.scan.msk.s32 $0xffff, v22  }
0x35: {  	v27 =	vld [tilespmem:s25+$0xFFFFFFC0];
	v22 =	vsel vm1, $0x1, v1;
	v17 =	vadd.s32 v17, v1;
	(xrf0) =	vadd.scan.msk.s32 $0xffff, v26;
	v26 =	vadd.s32 v24, v18;
	v18, _, _ =	vpop (xrf0)  }
0x36: {  	s26 =	simm.s32 $0x2840;
	v29 =	vld [tilespmem:s25+$0xFFFFFFD0];
	v17 =	vadd.s32 $0xFFFFFFFF, v17;
	(xrf0) =	vadd.scan.msk.s32 $0xffff, v22;
	v22 =	vmpcnt.ones.xlane vm7;
	v13 =	vadd.s32 v18, v13  }
0x37: {  	v30 =	vsel vm6, v17, v2;
	(xrf0) =	vadd.scan.msk.s32 $0xffff, v28;
	v28 =	vadd.s32 v26, v15;
	v13 =	vadd.s32 $0xFFFFFFFF, v13;
	v15, _, _ =	vpop (xrf0);
	v17 =	vld [tilespmem:s26+$0xFFFFFFC0]  }
0x38: {  	v31 =	vld [tilespmem:s25+$0xFFFFFFE0];
	v18 =	vadd.s32 v28, v22;
	v22 =	vsel vm0, v13, v2;
	v13 =	vadd.s32 v15, v14;
	v14, _, _ =	vpop (xrf0)  }
0x39: {  	v15 =	vld [tilespmem:s26+$0xFFFFFFD0];
	v13 =	vadd.s32 $0xFFFFFFFF, v13;
	v14 =	vadd.s32 v14, v19  }
0x3a: {  	v34 =	vld [tilespmem:s25+$0xFFFFFFF0];
	v19, _, _ =	vpop (xrf0);
	v36 =	vsel vm5, v13, v2;
	v13 =	vadd.s32 $0xFFFFFFFF, v14  }
0x3b: {  	v35 =	vld [tilespmem:s25+$0x0];
	vm0 =	vmmov vm7;
	v19 =	vadd.s32 v19, v21;
	v21, _, _ =	vpop (xrf0);
	v37 =	vsel vm4, v13, v2  }
0x3c: {  	v14 =	vld [tilespmem:s26+$0xFFFFFFE0];
	[tilespmem:v30+s14+$0x0] =	vst.idx.msk $0xffff, v27;
	v19 =	vadd.s32 $0xFFFFFFFF, v19;
	v21 =	vadd.s32 v21, v24;
	v24, _, _ =	vpop (xrf0);
	vm6 =	vlt.s32 v17, $0x3E8  }
0x3d: {  	v13 =	vld [tilespmem:s26+$0xFFFFFFF0];
	[tilespmem:v30+s15+$0x0] =	vst.idx.msk $0xffff, v16;
	v38 =	vsel vm3, v19, v2;
	v16 =	vadd.s32 $0xFFFFFFFF, v21;
	v19 =	vadd.s32 v24, v26  }
0x3e: {  	v26, _, _ =	vpop (xrf0);
	v21 =	vld [tilespmem:s26+$0x0];
	v27 =	vmpcnt.ones.xlane vm6;
	vm7 =	vlt.s32 v15, $0x3E8;
	v24 =	vsel vm2, v16, v2  }
0x3f: {  	[tilespmem:v22+s14+$0x0] =	vst.idx.msk $0xffff, v29;
	v16 =	vadd.s32 $0xFFFFFFFF, v19;
	v26 =	vadd.s32 v26, v28;
	v19 =	vld [tilespmem:s26+$0x10];
	v28 =	vsel vm7, $0x1, v1  }
0x40: {  	[tilespmem:v22+s15+$0x0] =	vst.idx.msk $0xffff, v20;
	v20 =	vld [tilespmem:s26+$0x20];
	v30 =	vmpcnt.ones.xlane vm7;
	v29 =	vadd.s32 $0xFFFFFFFF, v26;
	v26 =	vsel vm6, $0x1, v1  }
0x41: {  	v22 =	vsel vm1, v16, v2;
	[tilespmem:v36+s14+$0x0] =	vst.idx.msk $0xffff, v31;
	vm5 =	vlt.s32 v14, $0x3E8;
	v16 =	vld [tilespmem:s26+$0x30];
	(xrf0) =	vadd.scan.msk.s32 $0xffff, v26  }
0x42: {  	v32 =	vadd.s32 v18, v27;
	v26 =	vmpcnt.ones.xlane vm5;
	vm4 =	vlt.s32 v13, $0x3E8;
	(xrf0) =	vadd.scan.msk.s32 $0xffff, v28  }
0x43: {  	v30 =	vadd.s32 v32, v30;
	[tilespmem:v36+s15+$0x0] =	vst.idx.msk $0xffff, v23;
	v27 =	vmpcnt.ones.xlane vm4;
	vm3 =	vlt.s32 v21, $0x3E8  }
0x44: {  	[tilespmem:v37+s14+$0x0] =	vst.idx.msk $0xffff, v34;
	v28 =	vadd.s32 v30, v26;
	v23 =	vmpcnt.ones.xlane vm3;
	vm2 =	vlt.s32 v19, $0x3E8  }
0x45: {  	[tilespmem:v37+s15+$0x0] =	vst.idx.msk $0xffff, v25;
	v27 =	vadd.s32 v28, v27;
	vm1 =	vlt.s32 v20, $0x3E8;
	v31 =	vmpcnt.ones.xlane vm2  }
0x46: {  	[tilespmem:v38+s14+$0x0] =	vst.idx.msk $0xffff, v35;
	vm8 =	vlt.s32 v16, $0x3E8;
	v26 =	vadd.s32 v27, v23;
	v23 =	vmpcnt.ones.xlane vm1  }
0x47: {  	v39 =	vsel vm5, $0x1, v1;
	[tilespmem:v38+s15+$0x0] =	vst.idx.msk $0xffff, v33;
	v33 =	vld [tilespmem:s25+$0x10];
	v25 =	vadd.s32 v26, v31;
	v31 =	vmpcnt.ones.xlane vm8;
	v34, _, _ =	vpop (xrf0)  }
0x48: {  	s28 =	simm.s32 $0x8;
	s29 =	simm.s32 $0x40;
	v37 =	vsel vm4, $0x1, v1;
	v35 =	vsel vm3, $0x1, v1;
	(xrf0) =	vadd.scan.msk.s32 $0xffff, v39;
	v23 =	vadd.s32 v25, v23;
	v36, _, _ =	vpop (xrf0)  }
.LBB2_2:
0x49: {  	s28 =	sadd.s32 $0x8, s28;
	v38 =	vsel vm2, $0x1, v1;
	v39 =	vsel vm1, $0x1, v1;
	v31 =	vadd.s32 v23, v31;
	(xrf0) =	vadd.scan.msk.s32 $0xffff, v37;
	v37 =	vld [tilespmem:s25+$0x20];
	s29 =	sadd.s32 $0x80, s29;
	v40 =	vmovc v21  }
0x4a: {  	v34 =	vadd.s32 v34, v18;
	v32 =	vadd.s32 v36, v32;
	v36 =	vsel vm8, $0x1, v1;
	p0 =	slt.u32 s28, $0x268;
	v21 =	vld [tilespmem:s29+$0xFFFFFFC0];
	(xrf0) =	vadd.scan.msk.s32 $0xffff, v35;
	v18 =	vmovc v31  }
0x4b: {  	v29 =	vsel vm0, v29, v2;
	v34 =	vadd.s32 $0xFFFFFFFF, v34;
	v32 =	vadd.s32 $0xFFFFFFFF, v32;
	(xrf0) =	vadd.scan.msk.s32 $0xffff, v38;
	v35 =	vld [tilespmem:s25+$0x30];
	s25 =	smov.u32 s29  }
0x4c: {  	v34 =	vsel vm6, v34, v2;
	v32 =	vsel vm7, v32, v2;
	v38 =	vld [tilespmem:s29+$0xFFFFFFD0];
	(xrf0) =	vadd.scan.msk.s32 $0xffff, v39;
	[tilespmem:v24+s14+$0x0] =	vst.idx.msk $0xffff, v33  }
0x4d: {  	vm0 =	vmmov vm8;
	v33 =	vld [tilespmem:s29+$0xFFFFFFE0];
	(xrf0) =	vadd.scan.msk.s32 $0xffff, v36;
	[tilespmem:v24+s15+$0x0] =	vst.idx.msk $0xffff, v11;
	v11 =	vmov v19  }
0x4e: {  	v36 =	vld [tilespmem:s29+$0xFFFFFFF0];
	v19, _, _ =	vpop (xrf0);
	[tilespmem:v22+s14+$0x0] =	vst.idx.msk $0xffff, v37  }
0x4f: {  	s26 =	sadd.s32 $0x80, s26;
	v19 =	vadd.s32 v19, v30;
	v37 =	vld [tilespmem:s29+$0x0];
	v24, _, _ =	vpop (xrf0);
	[tilespmem:v22+s15+$0x0] =	vst.idx.msk $0xffff, v10;
	v10 =	vmov v20  }
0x50: {  	v20 =	vld [tilespmem:s26+$0xFFFFFFC0];
	v19 =	vadd.s32 $0xFFFFFFFF, v19;
	v22 =	vadd.s32 v24, v28;
	v24, _, _ =	vpop (xrf0);
	[tilespmem:v29+s14+$0x0] =	vst.idx.msk $0xffff, v35  }
0x51: {  	v28 =	vld [tilespmem:s26+$0xFFFFFFD0];
	v35 =	vsel vm5, v19, v2;
	v30 =	vadd.s32 $0xFFFFFFFF, v22;
	v22 =	vadd.s32 v24, v27;
	v24, _, _ =	vpop (xrf0);
	[tilespmem:v29+s15+$0x0] =	vst.idx.msk $0xffff, v12  }
0x52: {  	v27 =	vld [tilespmem:s26+$0xFFFFFFE0];
	[tilespmem:v34+s14+$0x0] =	vst.idx.msk $0xffff, v21;
	v39 =	vsel vm4, v30, v2;
	v12 =	vadd.s32 $0xFFFFFFFF, v22;
	v22 =	vadd.s32 v24, v26;
	v21, _, _ =	vpop (xrf0)  }
0x53: {  	v26 =	vld [tilespmem:s26+$0xFFFFFFF0];
	[tilespmem:v34+s15+$0x0] =	vst.idx.msk $0xffff, v17;
	v41 =	vsel vm3, v12, v2;
	v12 =	vadd.s32 $0xFFFFFFFF, v22;
	v25 =	vadd.s32 v21, v25;
	v19, _, _ =	vpop (xrf0)  }
0x54: {  	v21 =	vld [tilespmem:s26+$0x0];
	[tilespmem:v32+s14+$0x0] =	vst.idx.msk $0xffff, v38;
	v24 =	vsel vm2, v12, v2;
	v30 =	vadd.s32 $0xFFFFFFFF, v25;
	v23 =	vadd.s32 v19, v23  }
0x55: {  	vm6 =	vlt.s32 v20, $0x3E8;
	v19 =	vld [tilespmem:s26+$0x10];
	[tilespmem:v32+s15+$0x0] =	vst.idx.msk $0xffff, v15;
	v22 =	vsel vm1, v30, v2;
	v29 =	vadd.s32 $0xFFFFFFFF, v23;
	v17 =	vmovc v20  }
0x56: {  	v23 =	vsel vm6, $0x1, v1;
	v25 =	vmpcnt.ones.xlane vm6;
	vm7 =	vlt.s32 v28, $0x3E8;
	v20 =	vld [tilespmem:s26+$0x20];
	[tilespmem:v35+s14+$0x0] =	vst.idx.msk $0xffff, v33;
	v15 =	vmovc v28;
	v12 =	vmovc v16  }
0x57: {  	v28 =	vsel vm7, $0x1, v1;
	v30 =	vmpcnt.ones.xlane vm7;
	vm5 =	vlt.s32 v27, $0x3E8;
	v16 =	vld [tilespmem:s26+$0x30];
	(xrf0) =	vadd.scan.msk.s32 $0xffff, v23  }
0x58: {  	v32 =	vadd.s32 v31, v25;
	v23 =	vmpcnt.ones.xlane vm5;
	vm4 =	vlt.s32 v26, $0x3E8;
	(xrf0) =	vadd.scan.msk.s32 $0xffff, v28  }
0x59: {  	v30 =	vadd.s32 v32, v30;
	v25 =	vmpcnt.ones.xlane vm4;
	vm3 =	vlt.s32 v21, $0x3E8;
	[tilespmem:v35+s15+$0x0] =	vst.idx.msk $0xffff, v14;
	v14 =	vmovc v27  }
.Ltmp2:
0x5a: {  	v28 =	vadd.s32 v30, v23;
	v23 =	vmpcnt.ones.xlane vm3;
	vm2 =	vlt.s32 v19, $0x3E8;
	[tilespmem:v39+s14+$0x0] =	vst.idx.msk $0xffff, v36;
	(pc) =	sbr.rel @p0 .LBB2_2-.Ltmp2, $4  }
0x5b: {  	v27 =	vadd.s32 v28, v25;
	v25 =	vmpcnt.ones.xlane vm2;
	vm1 =	vlt.s32 v20, $0x3E8;
	[tilespmem:v39+s15+$0x0] =	vst.idx.msk $0xffff, v13;
	v13 =	vmovc v26  }
0x5c: {  	v26 =	vadd.s32 v27, v23;
	v23 =	vmpcnt.ones.xlane vm1;
	vm8 =	vlt.s32 v16, $0x3E8;
	[tilespmem:v41+s14+$0x0] =	vst.idx.msk $0xffff, v37  }
0x5d: {  	v38 =	vsel vm5, $0x1, v1;
	v25 =	vadd.s32 v26, v25;
	v31 =	vmpcnt.ones.xlane vm8;
	v34, _, _ =	vpop (xrf0);
	[tilespmem:v41+s15+$0x0] =	vst.idx.msk $0xffff, v40;
	v33 =	vld [tilespmem:s29+$0x10]  }
0x5e: {  	v35 =	vsel vm3, $0x1, v1;
	v37 =	vsel vm4, $0x1, v1;
	v23 =	vadd.s32 v25, v23;
	v36, _, _ =	vpop (xrf0);
	(xrf0) =	vadd.scan.msk.s32 $0xffff, v38  }
0x5f: {  	_ = 	snop  }
0x60: {  	v38 =	vld [tilespmem:s25+$0x20]  }
0x61: {  	(xrf0) =	vadd.scan.msk.s32 $0xffff, v37;
	v42 =	vld [tilespmem:s25+$0x30];
	v29 =	vsel vm0, v29, v2  }
0x62: {  	v18 =	vadd.s32 v34, v18  }
0x63: {  	s0 =	sadd.s32 $0x80, s29;
	(xrf0) =	vadd.scan.msk.s32 $0xffff, v35;
	v18 =	vadd.s32 $0xFFFFFFFF, v18;
	[tilespmem:v24+s14+$0x0] =	vst.idx.msk $0xffff, v33  }
0x64: {  	v43 =	vsel vm2, $0x1, v1;
	v32 =	vadd.s32 v36, v32;
	v44 =	vld [tilespmem:s0+$0xFFFFFFC0];
	v18 =	vsel vm6, v18, v2;
	[tilespmem:v24+s15+$0x0] =	vst.idx.msk $0xffff, v11  }
0x65: {  	(xrf0) =	vadd.scan.msk.s32 $0xffff, v43;
	v11 =	vadd.s32 $0xFFFFFFFF, v32;
	v45, _, _ =	vpop (xrf0);
	[tilespmem:v22+s14+$0x0] =	vst.idx.msk $0xffff, v38  }
0x66: {  	v46 =	vsel vm1, $0x1, v1;
	v47 =	vld [tilespmem:s0+$0xFFFFFFD0];
	v11 =	vsel vm7, v11, v2;
	[tilespmem:v29+s14+$0x0] =	vst.idx.msk $0xffff, v42;
	v24 =	vadd.s32 v45, v30  }
0x67: {  	v49 =	vsel vm8, $0x1, v1;
	(xrf0) =	vadd.scan.msk.s32 $0xffff, v46;
	[tilespmem:v22+s15+$0x0] =	vst.idx.msk $0xffff, v10;
	v10, _, _ =	vpop (xrf0);
	v48 =	vadd.s32 $0xFFFFFFFF, v24  }
0x68: {  	v50 =	vld [tilespmem:s0+$0xFFFFFFE0];
	[tilespmem:v29+s15+$0x0] =	vst.idx.msk $0xffff, v12;
	(xrf0) =	vadd.scan.msk.s32 $0xffff, v49;
	v10 =	vadd.s32 v10, v28;
	v22 =	vsel vm5, v48, v2  }
0x69: {  	v51, _, _ =	vpop (xrf0);
	[tilespmem:v18+s14+$0x0] =	vst.idx.msk $0xffff, v44;
	v10 =	vadd.s32 $0xFFFFFFFF, v10  }
0x6a: {  	v52 =	vld [tilespmem:s0+$0xFFFFFFF0];
	v12 =	vadd.s32 v51, v27;
	[tilespmem:v18+s15+$0x0] =	vst.idx.msk $0xffff, v17;
	v10 =	vsel vm4, v10, v2  }
0x6b: {  	v53, _, _ =	vpop (xrf0);
	v12 =	vadd.s32 $0xFFFFFFFF, v12;
	[tilespmem:v11+s14+$0x0] =	vst.idx.msk $0xffff, v47  }
0x6c: {  	v54 =	vld [tilespmem:s0+$0x0];
	v17 =	vadd.s32 v53, v26;
	v12 =	vsel vm3, v12, v2;
	[tilespmem:v11+s15+$0x0] =	vst.idx.msk $0xffff, v15  }
0x6d: {  	v55 =	vadd.s32 $0xFFFFFFFF, v17;
	v11, _, _ =	vpop (xrf0);
	[tilespmem:v22+s14+$0x0] =	vst.idx.msk $0xffff, v50  }
0x6e: {  	v56 =	vld [tilespmem:s0+$0x10];
	v15 =	vsel vm2, v55, v2;
	v11 =	vadd.s32 v11, v25;
	v57, _, _ =	vpop (xrf0);
	[tilespmem:v22+s15+$0x0] =	vst.idx.msk $0xffff, v14  }
0x6f: {  	v11 =	vadd.s32 $0xFFFFFFFF, v11;
	v17 =	vadd.s32 v57, v23;
	[tilespmem:v10+s14+$0x0] =	vst.idx.msk $0xffff, v52  }
0x70: {  	vm14 =	vmmov vm8;
	v11 =	vsel vm1, v11, v2;
	v58 =	vadd.s32 $0xFFFFFFFF, v17;
	[tilespmem:v10+s15+$0x0] =	vst.idx.msk $0xffff, v13;
	v10 =	vld [tilespmem:s0+$0x20]  }
0x71: {  	v59 =	vld [tilespmem:s0+$0x30];
	[tilespmem:v12+s14+$0x0] =	vst.idx.msk $0xffff, v54;
	v13 =	vsel vm14, v58, v2  }
0x72: {  	[tilespmem:v12+s15+$0x0] =	vst.idx.msk $0xffff, v21  }
0x73: {  	[tilespmem:v15+s14+$0x0] =	vst.idx.msk $0xffff, v56  }
0x74: {  	[tilespmem:v15+s15+$0x0] =	vst.idx.msk $0xffff, v19  }
0x75: {  	[tilespmem:v11+s14+$0x0] =	vst.idx.msk $0xffff, v10  }
0x76: {  	[tilespmem:v13+s14+$0x0] =	vst.idx.msk $0xffff, v59  }
0x77: {  	[tilespmem:v11+s15+$0x0] =	vst.idx.msk $0xffff, v20  }
0x78: {  	[tilespmem:v13+s15+$0x0] =	vst.idx.msk $0xffff, v16  }
0x79: {  	v10 =	vld [tilespmem:$0x4E80];
	_ =	sdelay $0x4  }
0x7a: {  	vm15 =	vlt.s32 v10, $0x3E8  }
0x7b: {  	v11 =	vmpcnt.ones.xlane vm15  }
0x7c: {  	v60 =	vadd.s32 v23, v31  }
0x7d: {  	v61 =	vsel vm15, $0x1, v1;
	v11 =	vadd.s32 v60, v11  }
0x7e: {  	(xrf0) =	vadd.scan.msk.s32 $0xffff, v61;
	v11 =	vxor.u32 $0x80000000, v11  }
0x7f: {  	(xrf0) =	vmax.scan.msk.u32 $0xffff, v11;
	_ =	sdelay $0x4  }
0x80: {  	v11, _, _ =	vpop (xrf0)  }
0x81: {  	v62, _, _ =	vpop (xrf0)  }
0x82: {  	(v2sf) =	vpush v62, $0xF;
	_ =	sdelay $0xe  }
0x83: {  	v11 =	vadd.s32 v11, v60;
	s26 =	spop (v2sf)  }
0x84: {  	v11 =	vadd.s32 $0xFFFFFFFF, v11;
	s2 =	sadd.s32 $0x8000007F, s26  }
0x85: {  	v63 =	vld [tilespmem:$0x2700];
	v11 =	vsel vm15, v11, v2;
	s28 =	sand.u32 $0x7F, s2  }
0x86: {  	s13 =	sshra.s32 s2, $0x1F;
	p1 =	slt.s32 s2, $0x1;
	p0 =	sne.s32 s28, $0x0  }
0x87: {  	s28 =	sshrl.u32 s13, $0x19;
	p0 =	por !p1, !p0  }
0x88: {  	s25 =	sadd.s32 s28, s2;
	s28 =	simm.s32 $0x1;
	p0 =	por !p0, !p0  }
0x89: {  	s25 =	sshra.s32 s25, $0x7;
	s28 =	simm.s32 @!p0 $0x0  }
0x8a: {  	[tilespmem:v11+s14+$0x0] =	vst.idx.msk $0xffff, v63;
	s25 =	ssub.s32 s25, s28  }
0x8b: {  	[tilespmem:v11+s15+$0x0] =	vst.idx.msk $0xffff, v10;
	p0 =	slt.s32 s25, $0x1  }
0x8c: {  	v11 =	vld @!p0 [tilespmem:$0x4F00]  }
0x8d: {  	v12 =	vld @!p0 [tilespmem:$0x7700]  }
0x8e: {  	s26 =	sxor.u32 $0x80000000, s26;
	v13 =	vld @!p0 [tilespmem:$0x4F10]  }
0x8f: {  	v10 =	vmov s26;
	v14 =	vld @!p0 [tilespmem:$0x7710]  }
0x90: {  	vm0 =	vgt.s32 @!p0 v10, v0;
	v15 =	vld @!p0 [tilespmem:$0x4F20]  }
0x91: {  	v16 =	vld @!p0 [tilespmem:$0x7720];
	v11 =	vnsel @!p0 vm0, $0x0, v11  }
0x92: {  	[tilespmem:$0x9F00] =	vst @!p0 v11;
	v11 =	vnsel @!p0 vm0, $0x3E8, v12;
	vm0 =	vgt.s32 @!p0 v10, v3;
	v12 =	vld @!p0 [tilespmem:$0x4F30]  }
0x93: {  	[tilespmem:$0xA000] =	vst @!p0 v11;
	v11 =	vnsel @!p0 vm0, $0x0, v13;
	v13 =	vld @!p0 [tilespmem:$0x7730]  }
0x94: {  	[tilespmem:$0x9F10] =	vst @!p0 v11;
	v11 =	vnsel @!p0 vm0, $0x3E8, v14;
	vm0 =	vgt.s32 @!p0 v10, v4;
	v14 =	vld @!p0 [tilespmem:$0x4F40]  }
0x95: {  	[tilespmem:$0xA010] =	vst @!p0 v11;
	v11 =	vnsel @!p0 vm0, $0x0, v15;
	v15 =	vld @!p0 [tilespmem:$0x7740]  }
0x96: {  	[tilespmem:$0x9F20] =	vst @!p0 v11;
	v11 =	vnsel @!p0 vm0, $0x3E8, v16;
	vm0 =	vgt.s32 @!p0 v10, v5;
	v16 =	vld @!p0 [tilespmem:$0x4F50]  }
0x97: {  	[tilespmem:$0xA020] =	vst @!p0 v11;
	v11 =	vnsel @!p0 vm0, $0x0, v12;
	v12 =	vld @!p0 [tilespmem:$0x7750]  }
0x98: {  	[tilespmem:$0x9F30] =	vst @!p0 v11;
	v11 =	vnsel @!p0 vm0, $0x3E8, v13;
	vm0 =	vgt.s32 @!p0 v10, v6;
	v13 =	vld @!p0 [tilespmem:$0x4F60]  }
0x99: {  	[tilespmem:$0xA030] =	vst @!p0 v11;
	v11 =	vnsel @!p0 vm0, $0x0, v14;
	v14 =	vld @!p0 [tilespmem:$0x7760]  }
0x9a: {  	[tilespmem:$0x9F40] =	vst @!p0 v11;
	v11 =	vnsel @!p0 vm0, $0x3E8, v15;
	vm0 =	vgt.s32 @!p0 v10, v7;
	v15 =	vld @!p0 [tilespmem:$0x4F70]  }
0x9b: {  	[tilespmem:$0xA040] =	vst @!p0 v11;
	v11 =	vnsel @!p0 vm0, $0x0, v16;
	v16 =	vld @!p0 [tilespmem:$0x7770]  }
0x9c: {  	[tilespmem:$0x9F50] =	vst @!p0 v11;
	v11 =	vnsel @!p0 vm0, $0x3E8, v12;
	vm0 =	vgt.s32 @!p0 v10, v8  }
0x9d: {  	[tilespmem:$0xA050] =	vst @!p0 v11;
	v11 =	vnsel @!p0 vm0, $0x0, v13  }
0x9e: {  	[tilespmem:$0x9F60] =	vst @!p0 v11;
	v11 =	vnsel @!p0 vm0, $0x3E8, v14;
	vm0 =	vgt.s32 @!p0 v10, v9  }
0x9f: {  	s29 =	sadd.s32 $0x1, s25;
	[tilespmem:$0xA060] =	vst @!p0 v11;
	v11 =	vnsel @!p0 vm0, $0x0, v15  }
0xa0: {  	s30 =	sand.u32 $0x1, s29;
	[tilespmem:$0x9F70] =	vst @!p0 v11;
	v11 =	vnsel @!p0 vm0, $0x3E8, v16  }
0xa1: {  	p5 =	slt.s32 s25, $0x0;
	p6 =	seq.s32 s30, $0x1;
	[tilespmem:$0xA070] =	vst @!p0 v11  }
0xa2: {  	[tilespmem:s19], [sflag:$0x1] =	stream.indirect.gather @!p0 [hbm4b:s1+s17], $0x80, s18, s17, $0xb8;
	[tilespmem:$0x14100] =	vst v63  }
0xa3: {  	s31 =	sshrl.u32 s29, $0x1F;
	p0 =	por !p5, !p6  }
0xa4: {  	s28 =	simm.s32 $0x1;
	s26 =	sadd.s32 s31, s29;
	p0 =	por !p0, !p0  }
0xa5: {  	s26 =	sshra.s32 s26, $0x1;
	s28 =	simm.s32 @!p0 $0x0  }
0xa6: {  	s26 =	ssub.s32 s26, s28  }
0xa7: {  	p0 =	slt.s32 s26, $0x1  }
.Ltmp3:
0xa8: {  	_ = 	snop;
	(pc) =	sbr.rel @p0 .LBB2_10-.Ltmp3, $1  }
0xa9: {  	_ =	sdelay $0x3  }
.Ltmp4:
0xaa: {  	(pc) =	sbr.rel .LBB2_5-.Ltmp4, $3  }
0xab: {  	_ =	sdelay $0x1  }
0xac: {  	s28 =	simm.s32 $0x2  }
0xad: {  	s29 =	simm.s32 $0xC0;
	s30 =	simm.s32 $0x4FC0;
	s31 =	simm.s32 $0x77C0  }
.LBB2_9:
0xae: {  	s2 =	simm.s32 @!p0 $0x2  }
0xaf: {  	_ =	swait.ge @!p0 [sflag:s2], $0x4000  }
0xb0: {  	s0 =	simm.s32 @!p0 $0xA080;
	[sflag:s2] =	ssyncset.done @!p0 $0x0  }
0xb1: {  	s13 =	simm.s32 @!p0 $0xE100;
	[sflag:s2] =	ssyncadd.s32 @!p0 $0xFFFFC000;
	s2 =	simm.s32 @!p0 $0x80  }
0xb2: {  	[spmem:s3] =	stream.indirect.scatter.add.f32 @!p0 [tilespmem:s13], [sflag:$0x3], $0x80, s0, s2, $0xb8;
	[tilespmem:$0x14100] =	vst v63  }
0xb3: {  	s0 =	simm.s32 @!p0 $0x3  }
0xb4: {  	_ =	swait.ge @!p0 [sflag:s0], $0x4000  }
0xb5: {  	s26 =	sadd.s32 $0xFFFFFFFF, s26;
	[sflag:s0] =	ssyncset.done @!p0 $0x0  }
0xb6: {  	[sflag:s0] =	ssyncadd.s32 @!p0 $0xFFFFC000;
	p0 =	sne.s32 s26, $0x0  }
.Ltmp5:
0xb7: {  	_ = 	snop;
	(pc) =	sbr.rel @!p0 .LBB2_10-.Ltmp5, $3  }
0xb8: {  	_ =	sdelay $0x1  }
0xb9: {  	s28 =	sadd.s32 $0x2, s28  }
0xba: {  	s29 =	sadd.s32 $0x100, s29;
	s30 =	sadd.s32 $0x100, s30;
	s31 =	sadd.s32 $0x100, s31  }
.LBB2_5:
0xbb: {  	s2 =	sadd.s32 $0xFFFFFFFF, s28  }
0xbc: {  	p0 =	sge.s32 s2, s25  }
.Ltmp6:
0xbd: {  	_ = 	snop;
	(pc) =	sbr.rel @p0 .LBB2_7-.Ltmp6, $1  }
0xbe: {  	_ =	sdelay $0x3  }
0xbf: {  	v11 =	vld [tilespmem:s30+$0xFFFFFFC0]  }
0xc0: {  	v12 =	vld [tilespmem:s31+$0xFFFFFFC0]  }
0xc1: {  	s2 =	sadd.s32 $0xFFFFFFC0, s29  }
0xc2: {  	v13 =	vor.u32 s2, v0  }
0xc3: {  	vm0 =	vlt.s32 v13, v10  }
0xc4: {  	v11 =	vnsel vm0, $0x0, v11  }
0xc5: {  	[tilespmem:$0x9F80] =	vst v11;
	v11 =	vnsel vm0, $0x3E8, v12  }
0xc6: {  	[tilespmem:$0xA080] =	vst v11  }
0xc7: {  	v11 =	vld [tilespmem:s30+$0xFFFFFFD0]  }
0xc8: {  	v50 =	vld [tilespmem:s31+$0xFFFFFFD0]  }
0xc9: {  	s0 =	sadd.s32 $0xFFFFFFD0, s29  }
0xca: {  	v51 =	vor.u32 s0, v0  }
0xcb: {  	vm9 =	vlt.s32 v51, v10  }
0xcc: {  	v11 =	vnsel vm9, $0x0, v11  }
0xcd: {  	[tilespmem:$0x9F90] =	vst v11;
	v11 =	vnsel vm9, $0x3E8, v50  }
0xce: {  	[tilespmem:$0xA090] =	vst v11  }
0xcf: {  	v11 =	vld [tilespmem:s30+$0xFFFFFFE0]  }
0xd0: {  	v52 =	vld [tilespmem:s31+$0xFFFFFFE0]  }
0xd1: {  	s13 =	sadd.s32 $0xFFFFFFE0, s29  }
0xd2: {  	v53 =	vor.u32 s13, v0  }
0xd3: {  	vm10 =	vlt.s32 v53, v10  }
0xd4: {  	v11 =	vnsel vm10, $0x0, v11  }
0xd5: {  	[tilespmem:$0x9FA0] =	vst v11;
	v11 =	vnsel vm10, $0x3E8, v52  }
0xd6: {  	[tilespmem:$0xA0A0] =	vst v11  }
0xd7: {  	v11 =	vld [tilespmem:s30+$0xFFFFFFF0]  }
0xd8: {  	v54 =	vld [tilespmem:s31+$0xFFFFFFF0]  }
0xd9: {  	s0 =	sadd.s32 $0xFFFFFFF0, s29  }
0xda: {  	v55 =	vor.u32 s0, v0  }
0xdb: {  	vm11 =	vlt.s32 v55, v10  }
0xdc: {  	v11 =	vnsel vm11, $0x0, v11  }
0xdd: {  	[tilespmem:$0x9FB0] =	vst v11;
	v11 =	vnsel vm11, $0x3E8, v54  }
0xde: {  	[tilespmem:$0xA0B0] =	vst v11  }
0xdf: {  	v11 =	vld [tilespmem:s30+$0x0]  }
0xe0: {  	v56 =	vld [tilespmem:s31+$0x0];
	_ =	sdelay $0x1  }
0xe1: {  	v57 =	vor.u32 s29, v0  }
0xe2: {  	vm12 =	vlt.s32 v57, v10  }
0xe3: {  	v11 =	vnsel vm12, $0x0, v11  }
0xe4: {  	[tilespmem:$0x9FC0] =	vst v11;
	v11 =	vnsel vm12, $0x3E8, v56  }
0xe5: {  	[tilespmem:$0xA0C0] =	vst v11  }
0xe6: {  	v11 =	vld [tilespmem:s30+$0x10]  }
0xe7: {  	v58 =	vld [tilespmem:s31+$0x10]  }
0xe8: {  	s13 =	sadd.s32 $0x10, s29  }
0xe9: {  	v59 =	vor.u32 s13, v0  }
0xea: {  	vm13 =	vlt.s32 v59, v10  }
0xeb: {  	v11 =	vnsel vm13, $0x0, v11  }
0xec: {  	[tilespmem:$0x9FD0] =	vst v11;
	v11 =	vnsel vm13, $0x3E8, v58  }
0xed: {  	[tilespmem:$0xA0D0] =	vst v11  }
0xee: {  	v11 =	vld [tilespmem:s30+$0x20]  }
0xef: {  	v60 =	vld [tilespmem:s31+$0x20]  }
0xf0: {  	s0 =	sadd.s32 $0x20, s29  }
0xf1: {  	v61 =	vor.u32 s0, v0  }
0xf2: {  	vm14 =	vlt.s32 v61, v10  }
0xf3: {  	v11 =	vnsel vm14, $0x0, v11  }
0xf4: {  	[tilespmem:$0x9FE0] =	vst v11;
	v11 =	vnsel vm14, $0x3E8, v60  }
0xf5: {  	[tilespmem:$0xA0E0] =	vst v11  }
0xf6: {  	v11 =	vld [tilespmem:s30+$0x30]  }
0xf7: {  	v62 =	vld [tilespmem:s31+$0x30]  }
0xf8: {  	s13 =	sadd.s32 $0x30, s29  }
0xf9: {  	v63 =	vor.u32 s13, v0  }
0xfa: {  	vm15 =	vlt.s32 v63, v10  }
0xfb: {  	v11 =	vnsel vm15, $0x0, v11  }
0xfc: {  	[tilespmem:$0x9FF0] =	vst v11;
	v11 =	vnsel vm15, $0x3E8, v62  }
0xfd: {  	[tilespmem:$0xA0F0] =	vst v11  }
0xfe: {  	[tilespmem:s21], [sflag:$0x2] =	stream.indirect.gather [hbm4b:s1+s17], $0x80, s20, s17, $0xb8;
	[tilespmem:$0x14100] =	vst v63  }
.LBB2_7:
0xff: {  	_ =	swait.ge [sflag:s16], $0x4000  }
0x100: {  	p1 =	sge.s32 s28, s25;
	[sflag:s16] =	ssyncset.done $0x0  }
.Ltmp7:
0x101: {  	[sflag:s16] =	ssyncadd.s32 $0xFFFFC000;
	(pc) =	sbr.rel @p1 .LBB2_9-.Ltmp7, $4  }
0x102: {  	[spmem:s3] =	stream.indirect.scatter.add.f32 [tilespmem:s19], [sflag:$0x4], $0x80, s22, s17, $0xb8;
	[tilespmem:$0x14100] =	vst v63  }
0x103: {  	_ =	swait.ge [sflag:s23], $0x4000  }
0x104: {  	[sflag:s23] =	ssyncset.done $0x0  }
0x105: {  	[sflag:s23] =	ssyncadd.s32 $0xFFFFC000  }
0x106: {  	v11 =	vld [tilespmem:s30+$0x40]  }
0x107: {  	v12 =	vld [tilespmem:s31+$0x40]  }
0x108: {  	s2 =	sadd.s32 $0x40, s29  }
0x109: {  	v13 =	vor.u32 s2, v0  }
0x10a: {  	vm0 =	vlt.s32 v13, v10  }
0x10b: {  	v11 =	vnsel vm0, $0x0, v11  }
0x10c: {  	[tilespmem:$0x9F00] =	vst v11;
	v11 =	vnsel vm0, $0x3E8, v12  }
0x10d: {  	[tilespmem:$0xA000] =	vst v11  }
0x10e: {  	v11 =	vld [tilespmem:s30+$0x50]  }
0x10f: {  	v50 =	vld [tilespmem:s31+$0x50]  }
0x110: {  	s13 =	sadd.s32 $0x50, s29  }
0x111: {  	v51 =	vor.u32 s13, v0  }
0x112: {  	vm9 =	vlt.s32 v51, v10  }
0x113: {  	v11 =	vnsel vm9, $0x0, v11  }
0x114: {  	[tilespmem:$0x9F10] =	vst v11;
	v11 =	vnsel vm9, $0x3E8, v50  }
0x115: {  	[tilespmem:$0xA010] =	vst v11  }
0x116: {  	v11 =	vld [tilespmem:s30+$0x60]  }
0x117: {  	v52 =	vld [tilespmem:s31+$0x60]  }
0x118: {  	s0 =	sadd.s32 $0x60, s29  }
0x119: {  	v53 =	vor.u32 s0, v0  }
0x11a: {  	vm10 =	vlt.s32 v53, v10  }
0x11b: {  	v11 =	vnsel vm10, $0x0, v11  }
0x11c: {  	[tilespmem:$0x9F20] =	vst v11;
	v11 =	vnsel vm10, $0x3E8, v52  }
0x11d: {  	[tilespmem:$0xA020] =	vst v11  }
0x11e: {  	v11 =	vld [tilespmem:s30+$0x70]  }
0x11f: {  	v54 =	vld [tilespmem:s31+$0x70]  }
0x120: {  	s13 =	sadd.s32 $0x70, s29  }
0x121: {  	v55 =	vor.u32 s13, v0  }
0x122: {  	vm11 =	vlt.s32 v55, v10  }
0x123: {  	v11 =	vnsel vm11, $0x0, v11  }
0x124: {  	[tilespmem:$0x9F30] =	vst v11;
	v11 =	vnsel vm11, $0x3E8, v54  }
0x125: {  	[tilespmem:$0xA030] =	vst v11  }
0x126: {  	v11 =	vld [tilespmem:s30+$0x80]  }
0x127: {  	v56 =	vld [tilespmem:s31+$0x80]  }
0x128: {  	s0 =	sadd.s32 $0x80, s29  }
0x129: {  	v57 =	vor.u32 s0, v0  }
0x12a: {  	vm12 =	vlt.s32 v57, v10  }
0x12b: {  	v11 =	vnsel vm12, $0x0, v11  }
0x12c: {  	[tilespmem:$0x9F40] =	vst v11;
	v11 =	vnsel vm12, $0x3E8, v56  }
0x12d: {  	[tilespmem:$0xA040] =	vst v11  }
0x12e: {  	v11 =	vld [tilespmem:s30+$0x90]  }
0x12f: {  	v58 =	vld [tilespmem:s31+$0x90]  }
0x130: {  	s13 =	sadd.s32 $0x90, s29  }
0x131: {  	v59 =	vor.u32 s13, v0  }
0x132: {  	vm13 =	vlt.s32 v59, v10  }
0x133: {  	v11 =	vnsel vm13, $0x0, v11  }
0x134: {  	[tilespmem:$0x9F50] =	vst v11;
	v11 =	vnsel vm13, $0x3E8, v58  }
0x135: {  	[tilespmem:$0xA050] =	vst v11  }
0x136: {  	v11 =	vld [tilespmem:s30+$0xA0]  }
0x137: {  	v60 =	vld [tilespmem:s31+$0xA0]  }
0x138: {  	s0 =	sadd.s32 $0xA0, s29  }
0x139: {  	v61 =	vor.u32 s0, v0  }
0x13a: {  	vm14 =	vlt.s32 v61, v10  }
0x13b: {  	v11 =	vnsel vm14, $0x0, v11  }
0x13c: {  	[tilespmem:$0x9F60] =	vst v11;
	v11 =	vnsel vm14, $0x3E8, v60  }
0x13d: {  	[tilespmem:$0xA060] =	vst v11  }
0x13e: {  	v11 =	vld [tilespmem:s30+$0xB0]  }
0x13f: {  	v62 =	vld [tilespmem:s31+$0xB0]  }
0x140: {  	s13 =	sadd.s32 $0xB0, s29  }
0x141: {  	v63 =	vor.u32 s13, v0  }
.Ltmp8:
0x142: {  	vm15 =	vlt.s32 v63, v10;
	(pc) =	sbr.rel .LBB2_9-.Ltmp8, $4  }
0x143: {  	v11 =	vnsel vm15, $0x0, v11  }
0x144: {  	[tilespmem:$0x9F70] =	vst v11;
	v11 =	vnsel vm15, $0x3E8, v62  }
0x145: {  	[tilespmem:$0xA070] =	vst v11  }
0x146: {  	[tilespmem:s19], [sflag:$0x1] =	stream.indirect.gather [hbm4b:s1+s17], $0x80, s18, s17, $0xb8;
	[tilespmem:$0x14100] =	vst v63  }
.LBB2_11:
0x147: {  	_ =	sfence.sel $0x180000  }
0x148: {  	[bflag:$0x0] =	sbarrier.arrive $0xFFFF  }
0x149: {  	_ =	strace $0x90000047  }
0x14a: {  	s0 =	stileid.u32;
	[bflag:$0x2] =	sbarrier.arrive $0xFFFF  }
0x14b: {  	p0 =	sne.s32 s0, $0x0;
	s0 =	rddreg [dreg:$0x3]  }
0x14c: {  	s0 =	sadd.s32 @!p0 $0x100000, s0  }
0x14d: {  	[sflag:s0] =	ssyncadd.tile.s32 @!p0 $0x1;
	_ =	shalt  }
.Lfunc_end2:
_tile_overlayer_lowered:
.L_overlay_start_2:
0x14e: {  	(tag) =	ssettag $0x2  }
0x14f: {  	s0 =	rddreg [dreg:$0x0];
	s2 =	stileid.u32  }
0x150: {  	s1 =	rddreg [dreg:$0x1];
	p0 =	sne.s32 s2, $0x0  }
0x151: {  	s3 =	rddreg [dreg:$0x2];
	[bflag:$0x3] =	sbarrier.arrive $0xFFFF;
	s2 =	simm.s32 @!p0 $0x1C03  }
0x152: {  	[timem:s3], [sflag:s2] =	dma.local @!p0 [hbm:s0], s1  }
0x153: {  	s0 =	simm.s32 @!p0 $0x3  }
0x154: {  	_ =	swait.ge @!p0 [sflag:s0], s1  }
0x155: {  	s1 =	ssub.s32 @!p0 $0x0, s1;
	[sflag:s0] =	ssyncset.done @!p0 $0x0  }
0x156: {  	[sflag:s0] =	ssyncadd.s32 @!p0 s1  }
0x157: {  	[bflag:$0x3] =	sbarrier.arrive $0xFFFF  }
0x158: {  	_ =	shalt  }

</sc_bundles>
